<compile_context>
chip_gen: v7x
topology: tpu7x:2x2x1
jax: 0.10.2.dev20260603
libtpu: 0.0.44.dev20260713+nightly
codegen_flags: <defaults>
</compile_context>

<pallas_src>
import jax
import jax.numpy as jnp
from jax import lax
from jax.experimental import pallas as pl
from jax.experimental.pallas import tpu as pltpu
from jax.experimental.pallas import tpu_sc as plsc

BATCH = 1024
HIST = 20
VOCAB = 100000

NUM_CORES = 2
NUM_SUBCORES = 16
NUM_TILES = NUM_CORES * NUM_SUBCORES
ROWS_PER_TILE = BATCH // NUM_TILES
GROUPS = ROWS_PER_TILE // 16
WORDS_PER_TILE = HIST * ROWS_PER_TILE
CHUNK = 128
CHUNKS = WORDS_PER_TILE // CHUNK


def _sc_bow_kernel(x_hbm, w_hbm, out_hbm, idx_v, vals_v, out_v, sem):
    c = lax.axis_index("c")
    s = lax.axis_index("s")
    wid = s * NUM_CORES + c

    pltpu.sync_copy(x_hbm.at[wid], idx_v)

    w_row = w_hbm.at[0]
    copies = [
        pltpu.async_copy(w_row.at[idx_v.at[p]], vals_v.at[p], sem)
        for p in range(CHUNKS)
    ]
    for cp in copies:
        cp.wait()

    bias = jnp.zeros((16,), jnp.float32)

    def group_body(g, carry):
        def at(l):
            o = l * ROWS_PER_TILE
            return o // CHUNK, pl.ds(o % CHUNK + g * 16, 16)

        idx = []
        for l in range(HIST):
            p, sl = at(l)
            idx.append(idx_v[p, sl])
        acc = bias
        for l in range(HIST):
            dup = None
            for j in range(l):
                eq = idx[j] == idx[l]
                dup = eq if dup is None else (dup | eq)
            p, sl = at(l)
            val = vals_v[p, sl]
            if dup is not None:
                val = jnp.where(dup, 0.0, val)
            acc = acc + val
        out_v[pl.ds(g * 16, 16)] = acc
        return carry

    lax.fori_loop(0, GROUPS, group_body, 0)

    pltpu.sync_copy(out_v, out_hbm.at[pl.ds(wid * ROWS_PER_TILE,
                                            ROWS_PER_TILE)])


@jax.jit
def _bow_forward(x, W, b):
    xh = (x.reshape(NUM_TILES, ROWS_PER_TILE, HIST)
          .transpose(0, 2, 1).reshape(NUM_TILES, CHUNKS, CHUNK))

    mesh = plsc.VectorSubcoreMesh(core_axis_name="c", subcore_axis_name="s",
                                  num_cores=NUM_CORES)
    run = pl.kernel(
        _sc_bow_kernel,
        mesh=mesh,
        out_type=jax.ShapeDtypeStruct((BATCH,), jnp.float32),
        scratch_types=[
            pltpu.VMEM((CHUNKS, CHUNK), jnp.int32),
            pltpu.VMEM((CHUNKS, CHUNK), jnp.float32),
            pltpu.VMEM((ROWS_PER_TILE,), jnp.float32),
            pltpu.SemaphoreType.DMA,
        ],
    )
    out_flat = run(xh, W)
    return out_flat.reshape(BATCH, 1) + b


def kernel(x, W, b):
    return _bow_forward(x, W, b)

# --- scband reference (transcript-rebuilt; emitter-appended) ---
"""Pipeline reference for scband-bowclassifier-58652073394552 (READ-ONLY COPY).

The authoritative reference and input builder live on the scoring server;
editing this copy changes nothing except your own understanding.
"""

import jax, jax.numpy as jnp
import numpy as np

BATCH = 1024
HIST = 20
VOCAB = 100000


def setup_inputs(seed: int = 0) -> dict:
    key = jax.random.key(seed)
    k1, k2 = jax.random.split(key, 2)
    x = jax.random.randint(k1, (BATCH, HIST), 0, VOCAB).astype(jnp.int32)
    W = jax.random.normal(k2, (1, VOCAB), dtype=jnp.float32) * 0.02
    b = jnp.zeros((1,), dtype=jnp.float32)
    return {"x": x, "W": W, "b": b}


def reference(x, W, b):
    # Faithful translation of BOWClassifier.forward:
    #   embeds = zeros(B, V); embeds[arange(B), x.t()] = 1  (multi-hot scatter)
    #   out = embeds @ W.T + b
    B = x.shape[0]
    V = W.shape[1]
    embeds = jnp.zeros((B, V), dtype=jnp.float32)
    # torch advanced indexing embeds[arange(B), x.t()]: arange(B) [B] broadcasts
    # against x.T [L, B] -> sets embeds[b, x[b, l]] = 1 for all l.
    embeds = embeds.at[jnp.arange(B)[None, :], x.T].set(1.0)
    fc_out = embeds @ W.T + b
    return fc_out

if __name__ == "__main__":
    import jax
    _d = setup_inputs()
    print(jax.jit(kernel)(*tuple(_d.values())))

</pallas_src>

<mosaic_0001>
#map = affine_map<(d0, d1) -> (0, 0, 0)>
#map1 = affine_map<(d0, d1) -> (0, 0)>
#map2 = affine_map<(d0, d1) -> (0)>
module attributes {stable_mosaic.version = 14 : i64} {
  func.func @_sc_bow_kernel(%arg0: i32, %arg1: i32, %arg2: memref<32x5x128xi32, #tpu.memory_space<hbm>>, %arg3: memref<1x100000xf32, #tpu.memory_space<hbm>>, %arg4: memref<1024xf32, #tpu.memory_space<hbm>>, %arg5: memref<5x128xi32, #tpu.memory_space<vmem>>, %arg6: memref<5x128xf32, #tpu.memory_space<vmem>>, %arg7: memref<32xf32, #tpu.memory_space<vmem>>, %arg8: memref<!tpu.dma_semaphore, #tpu.memory_space<semaphore_mem>>) attributes {dimension_semantics = [#tpu.dimension_semantics<core_parallel>, #tpu.dimension_semantics<subcore_parallel>], iteration_bounds = array<i64: 2, 16>, scalar_prefetch = 0 : i64, scratch_operands = 4 : i64, tpu.core_type = #tpu.core_type<sc_vector_subcore>, window_params = [{transform_indices = #map}, {transform_indices = #map1}, {transform_indices = #map2}]} {
    %mul3A = arith.constant 2 : i32
    %mul3A_0 = arith.muli %arg1, %mul3A : i32
    %add3A = arith.addi %mul3A_0, %arg0 : i32
    "tpu.region"() ({
      %run_scoped3A = tpu.sem_alloc : memref<!tpu.dma_semaphore, #tpu.memory_space<semaphore_mem>>
      %dma_start3A_147 = arith.constant 0 : i32
      %dma_start3A_148 = arith.constant 0 : i32
      %dma_start3A_149 = tpu.memref_slice %arg2[%add3A, %dma_start3A_147, %dma_start3A_148] : memref<32x5x128xi32, #tpu.memory_space<hbm>> -> memref<1x5x128xi32, #tpu.memory_space<hbm>>
      %dma_start3A_150 = tpu.memref_squeeze %dma_start3A_149 : memref<1x5x128xi32, #tpu.memory_space<hbm>> -> memref<5x128xi32, #tpu.memory_space<hbm>>
      %dma_start3A_151 = arith.constant 0 : i32
      %dma_start3A_152 = arith.constant 0 : i32
      %dma_start3A_153 = tpu.memref_slice %arg2[%add3A, %dma_start3A_151, %dma_start3A_152] : memref<32x5x128xi32, #tpu.memory_space<hbm>> -> memref<1x5x128xi32, #tpu.memory_space<hbm>>
      %dma_start3A_154 = tpu.memref_squeeze %dma_start3A_153 : memref<1x5x128xi32, #tpu.memory_space<hbm>> -> memref<5x128xi32, #tpu.memory_space<hbm>>
      tpu.enqueue_dma source(%dma_start3A_154 : memref<5x128xi32, #tpu.memory_space<hbm>>) target(%arg5 : memref<5x128xi32, #tpu.memory_space<vmem>>) target_semaphore(%run_scoped3A : memref<!tpu.dma_semaphore, #tpu.memory_space<semaphore_mem>>)
      %dma_wait3A_155 = arith.constant 0 : i32
      %dma_wait3A_156 = arith.constant 0 : i32
      %dma_wait3A_157 = tpu.memref_slice %arg2[%add3A, %dma_wait3A_155, %dma_wait3A_156] : memref<32x5x128xi32, #tpu.memory_space<hbm>> -> memref<1x5x128xi32, #tpu.memory_space<hbm>>
      %dma_wait3A_158 = tpu.memref_squeeze %dma_wait3A_157 : memref<1x5x128xi32, #tpu.memory_space<hbm>> -> memref<5x128xi32, #tpu.memory_space<hbm>>
      %dma_wait3A_159 = arith.constant 0 : i32
      %dma_wait3A_160 = arith.constant 0 : i32
      %dma_wait3A_161 = tpu.memref_slice %arg2[%add3A, %dma_wait3A_159, %dma_wait3A_160] : memref<32x5x128xi32, #tpu.memory_space<hbm>> -> memref<1x5x128xi32, #tpu.memory_space<hbm>>
      %dma_wait3A_162 = tpu.memref_squeeze %dma_wait3A_161 : memref<1x5x128xi32, #tpu.memory_space<hbm>> -> memref<5x128xi32, #tpu.memory_space<hbm>>
      tpu.wait_dma2 semaphore(%run_scoped3A : memref<!tpu.dma_semaphore, #tpu.memory_space<semaphore_mem>>) src(%dma_wait3A_162 : memref<5x128xi32, #tpu.memory_space<hbm>>) dst(%arg5 : memref<5x128xi32, #tpu.memory_space<vmem>>)
      tpu.yield
    }) : () -> ()
    %dma_start3A = arith.constant 0 : i32
    %dma_start3A_1 = arith.constant 0 : i32
    %dma_start3A_2 = arith.constant 0 : i32
    %dma_start3A_3 = arith.constant 0 : i32
    %dma_start3A_4 = tpu.memref_slice %arg6[%dma_start3A_2, %dma_start3A_3] : memref<5x128xf32, #tpu.memory_space<vmem>> -> memref<1x128xf32, #tpu.memory_space<vmem>>
    %dma_start3A_5 = tpu.memref_squeeze %dma_start3A_4 : memref<1x128xf32, #tpu.memory_space<vmem>> -> memref<128xf32, #tpu.memory_space<vmem>>
    %dma_start3A_6 = arith.constant 0 : i32
    %dma_start3A_7 = tpu.memref_slice %arg5[%dma_start3A_1, %dma_start3A_6] : memref<5x128xi32, #tpu.memory_space<vmem>> -> memref<1x128xi32, #tpu.memory_space<vmem>>
    %dma_start3A_8 = tpu.memref_squeeze %dma_start3A_7 : memref<1x128xi32, #tpu.memory_space<vmem>> -> memref<128xi32, #tpu.memory_space<vmem>>
    %dma_start3A_9 = arith.constant 0 : i32
    %dma_start3A_10 = tpu.memref_slice %arg3[%dma_start3A, %dma_start3A_9] : memref<1x100000xf32, #tpu.memory_space<hbm>> -> memref<1x100000xf32, #tpu.memory_space<hbm>>
    %dma_start3A_11 = tpu.memref_squeeze %dma_start3A_10 : memref<1x100000xf32, #tpu.memory_space<hbm>> -> memref<100000xf32, #tpu.memory_space<hbm>>
    %dma_start3A_12 = arith.constant 0 : i32
    %dma_start3A_13 = tpu.memref_slice %dma_start3A_11[%dma_start3A_12] : memref<100000xf32, #tpu.memory_space<hbm>> -> memref<100000xf32, #tpu.memory_space<hbm>>
    tpu.enqueue_indirect_dma source(%dma_start3A_13 : memref<100000xf32, #tpu.memory_space<hbm>>) target(%dma_start3A_5 : memref<128xf32, #tpu.memory_space<vmem>>) offsets(%dma_start3A_8 : memref<128xi32, #tpu.memory_space<vmem>>) semaphore(%arg8 : memref<!tpu.dma_semaphore, #tpu.memory_space<semaphore_mem>>)
    %dma_start3A_14 = arith.constant 0 : i32
    %dma_start3A_15 = arith.constant 1 : i32
    %dma_start3A_16 = arith.constant 1 : i32
    %dma_start3A_17 = arith.constant 0 : i32
    %dma_start3A_18 = tpu.memref_slice %arg6[%dma_start3A_16, %dma_start3A_17] : memref<5x128xf32, #tpu.memory_space<vmem>> -> memref<1x128xf32, #tpu.memory_space<vmem>>
    %dma_start3A_19 = tpu.memref_squeeze %dma_start3A_18 : memref<1x128xf32, #tpu.memory_space<vmem>> -> memref<128xf32, #tpu.memory_space<vmem>>
    %dma_start3A_20 = arith.constant 0 : i32
    %dma_start3A_21 = tpu.memref_slice %arg5[%dma_start3A_15, %dma_start3A_20] : memref<5x128xi32, #tpu.memory_space<vmem>> -> memref<1x128xi32, #tpu.memory_space<vmem>>
    %dma_start3A_22 = tpu.memref_squeeze %dma_start3A_21 : memref<1x128xi32, #tpu.memory_space<vmem>> -> memref<128xi32, #tpu.memory_space<vmem>>
    %dma_start3A_23 = arith.constant 0 : i32
    %dma_start3A_24 = tpu.memref_slice %arg3[%dma_start3A_14, %dma_start3A_23] : memref<1x100000xf32, #tpu.memory_space<hbm>> -> memref<1x100000xf32, #tpu.memory_space<hbm>>
    %dma_start3A_25 = tpu.memref_squeeze %dma_start3A_24 : memref<1x100000xf32, #tpu.memory_space<hbm>> -> memref<100000xf32, #tpu.memory_space<hbm>>
    %dma_start3A_26 = arith.constant 0 : i32
    %dma_start3A_27 = tpu.memref_slice %dma_start3A_25[%dma_start3A_26] : memref<100000xf32, #tpu.memory_space<hbm>> -> memref<100000xf32, #tpu.memory_space<hbm>>
    tpu.enqueue_indirect_dma source(%dma_start3A_27 : memref<100000xf32, #tpu.memory_space<hbm>>) target(%dma_start3A_19 : memref<128xf32, #tpu.memory_space<vmem>>) offsets(%dma_start3A_22 : memref<128xi32, #tpu.memory_space<vmem>>) semaphore(%arg8 : memref<!tpu.dma_semaphore, #tpu.memory_space<semaphore_mem>>)
    %dma_start3A_28 = arith.constant 0 : i32
    %dma_start3A_29 = arith.constant 2 : i32
    %dma_start3A_30 = arith.constant 2 : i32
    %dma_start3A_31 = arith.constant 0 : i32
    %dma_start3A_32 = tpu.memref_slice %arg6[%dma_start3A_30, %dma_start3A_31] : memref<5x128xf32, #tpu.memory_space<vmem>> -> memref<1x128xf32, #tpu.memory_space<vmem>>
    %dma_start3A_33 = tpu.memref_squeeze %dma_start3A_32 : memref<1x128xf32, #tpu.memory_space<vmem>> -> memref<128xf32, #tpu.memory_space<vmem>>
    %dma_start3A_34 = arith.constant 0 : i32
    %dma_start3A_35 = tpu.memref_slice %arg5[%dma_start3A_29, %dma_start3A_34] : memref<5x128xi32, #tpu.memory_space<vmem>> -> memref<1x128xi32, #tpu.memory_space<vmem>>
    %dma_start3A_36 = tpu.memref_squeeze %dma_start3A_35 : memref<1x128xi32, #tpu.memory_space<vmem>> -> memref<128xi32, #tpu.memory_space<vmem>>
    %dma_start3A_37 = arith.constant 0 : i32
    %dma_start3A_38 = tpu.memref_slice %arg3[%dma_start3A_28, %dma_start3A_37] : memref<1x100000xf32, #tpu.memory_space<hbm>> -> memref<1x100000xf32, #tpu.memory_space<hbm>>
    %dma_start3A_39 = tpu.memref_squeeze %dma_start3A_38 : memref<1x100000xf32, #tpu.memory_space<hbm>> -> memref<100000xf32, #tpu.memory_space<hbm>>
    %dma_start3A_40 = arith.constant 0 : i32
    %dma_start3A_41 = tpu.memref_slice %dma_start3A_39[%dma_start3A_40] : memref<100000xf32, #tpu.memory_space<hbm>> -> memref<100000xf32, #tpu.memory_space<hbm>>
    tpu.enqueue_indirect_dma source(%dma_start3A_41 : memref<100000xf32, #tpu.memory_space<hbm>>) target(%dma_start3A_33 : memref<128xf32, #tpu.memory_space<vmem>>) offsets(%dma_start3A_36 : memref<128xi32, #tpu.memory_space<vmem>>) semaphore(%arg8 : memref<!tpu.dma_semaphore, #tpu.memory_space<semaphore_mem>>)
    %dma_start3A_42 = arith.constant 0 : i32
    %dma_start3A_43 = arith.constant 3 : i32
    %dma_start3A_44 = arith.constant 3 : i32
    %dma_start3A_45 = arith.constant 0 : i32
    %dma_start3A_46 = tpu.memref_slice %arg6[%dma_start3A_44, %dma_start3A_45] : memref<5x128xf32, #tpu.memory_space<vmem>> -> memref<1x128xf32, #tpu.memory_space<vmem>>
    %dma_start3A_47 = tpu.memref_squeeze %dma_start3A_46 : memref<1x128xf32, #tpu.memory_space<vmem>> -> memref<128xf32, #tpu.memory_space<vmem>>
    %dma_start3A_48 = arith.constant 0 : i32
    %dma_start3A_49 = tpu.memref_slice %arg5[%dma_start3A_43, %dma_start3A_48] : memref<5x128xi32, #tpu.memory_space<vmem>> -> memref<1x128xi32, #tpu.memory_space<vmem>>
    %dma_start3A_50 = tpu.memref_squeeze %dma_start3A_49 : memref<1x128xi32, #tpu.memory_space<vmem>> -> memref<128xi32, #tpu.memory_space<vmem>>
    %dma_start3A_51 = arith.constant 0 : i32
    %dma_start3A_52 = tpu.memref_slice %arg3[%dma_start3A_42, %dma_start3A_51] : memref<1x100000xf32, #tpu.memory_space<hbm>> -> memref<1x100000xf32, #tpu.memory_space<hbm>>
    %dma_start3A_53 = tpu.memref_squeeze %dma_start3A_52 : memref<1x100000xf32, #tpu.memory_space<hbm>> -> memref<100000xf32, #tpu.memory_space<hbm>>
    %dma_start3A_54 = arith.constant 0 : i32
    %dma_start3A_55 = tpu.memref_slice %dma_start3A_53[%dma_start3A_54] : memref<100000xf32, #tpu.memory_space<hbm>> -> memref<100000xf32, #tpu.memory_space<hbm>>
    tpu.enqueue_indirect_dma source(%dma_start3A_55 : memref<100000xf32, #tpu.memory_space<hbm>>) target(%dma_start3A_47 : memref<128xf32, #tpu.memory_space<vmem>>) offsets(%dma_start3A_50 : memref<128xi32, #tpu.memory_space<vmem>>) semaphore(%arg8 : memref<!tpu.dma_semaphore, #tpu.memory_space<semaphore_mem>>)
    %dma_start3A_56 = arith.constant 0 : i32
    %dma_start3A_57 = arith.constant 4 : i32
    %dma_start3A_58 = arith.constant 4 : i32
    %dma_start3A_59 = arith.constant 0 : i32
    %dma_start3A_60 = tpu.memref_slice %arg6[%dma_start3A_58, %dma_start3A_59] : memref<5x128xf32, #tpu.memory_space<vmem>> -> memref<1x128xf32, #tpu.memory_space<vmem>>
    %dma_start3A_61 = tpu.memref_squeeze %dma_start3A_60 : memref<1x128xf32, #tpu.memory_space<vmem>> -> memref<128xf32, #tpu.memory_space<vmem>>
    %dma_start3A_62 = arith.constant 0 : i32
    %dma_start3A_63 = tpu.memref_slice %arg5[%dma_start3A_57, %dma_start3A_62] : memref<5x128xi32, #tpu.memory_space<vmem>> -> memref<1x128xi32, #tpu.memory_space<vmem>>
    %dma_start3A_64 = tpu.memref_squeeze %dma_start3A_63 : memref<1x128xi32, #tpu.memory_space<vmem>> -> memref<128xi32, #tpu.memory_space<vmem>>
    %dma_start3A_65 = arith.constant 0 : i32
    %dma_start3A_66 = tpu.memref_slice %arg3[%dma_start3A_56, %dma_start3A_65] : memref<1x100000xf32, #tpu.memory_space<hbm>> -> memref<1x100000xf32, #tpu.memory_space<hbm>>
    %dma_start3A_67 = tpu.memref_squeeze %dma_start3A_66 : memref<1x100000xf32, #tpu.memory_space<hbm>> -> memref<100000xf32, #tpu.memory_space<hbm>>
    %dma_start3A_68 = arith.constant 0 : i32
    %dma_start3A_69 = tpu.memref_slice %dma_start3A_67[%dma_start3A_68] : memref<100000xf32, #tpu.memory_space<hbm>> -> memref<100000xf32, #tpu.memory_space<hbm>>
    tpu.enqueue_indirect_dma source(%dma_start3A_69 : memref<100000xf32, #tpu.memory_space<hbm>>) target(%dma_start3A_61 : memref<128xf32, #tpu.memory_space<vmem>>) offsets(%dma_start3A_64 : memref<128xi32, #tpu.memory_space<vmem>>) semaphore(%arg8 : memref<!tpu.dma_semaphore, #tpu.memory_space<semaphore_mem>>)
    %dma_wait3A = arith.constant 0 : i32
    %dma_wait3A_70 = arith.constant 0 : i32
    %dma_wait3A_71 = arith.constant 0 : i32
    %dma_wait3A_72 = arith.constant 0 : i32
    %dma_wait3A_73 = tpu.memref_slice %arg6[%dma_wait3A_71, %dma_wait3A_72] : memref<5x128xf32, #tpu.memory_space<vmem>> -> memref<1x128xf32, #tpu.memory_space<vmem>>
    %dma_wait3A_74 = tpu.memref_squeeze %dma_wait3A_73 : memref<1x128xf32, #tpu.memory_space<vmem>> -> memref<128xf32, #tpu.memory_space<vmem>>
    %dma_wait3A_75 = arith.constant 0 : i32
    %dma_wait3A_76 = tpu.memref_slice %arg5[%dma_wait3A_70, %dma_wait3A_75] : memref<5x128xi32, #tpu.memory_space<vmem>> -> memref<1x128xi32, #tpu.memory_space<vmem>>
    %dma_wait3A_77 = tpu.memref_squeeze %dma_wait3A_76 : memref<1x128xi32, #tpu.memory_space<vmem>> -> memref<128xi32, #tpu.memory_space<vmem>>
    %dma_wait3A_78 = arith.constant 0 : i32
    %dma_wait3A_79 = tpu.memref_slice %arg3[%dma_wait3A, %dma_wait3A_78] : memref<1x100000xf32, #tpu.memory_space<hbm>> -> memref<1x100000xf32, #tpu.memory_space<hbm>>
    %dma_wait3A_80 = tpu.memref_squeeze %dma_wait3A_79 : memref<1x100000xf32, #tpu.memory_space<hbm>> -> memref<100000xf32, #tpu.memory_space<hbm>>
    %dma_wait3A_81 = arith.constant 0 : i32
    %dma_wait3A_82 = tpu.memref_slice %dma_wait3A_80[%dma_wait3A_81] : memref<100000xf32, #tpu.memory_space<hbm>> -> memref<100000xf32, #tpu.memory_space<hbm>>
    tpu.wait_indirect_dma semaphore(%arg8 : memref<!tpu.dma_semaphore, #tpu.memory_space<semaphore_mem>>) src(%dma_wait3A_82 : memref<100000xf32, #tpu.memory_space<hbm>>) dst(%dma_wait3A_74 : memref<128xf32, #tpu.memory_space<vmem>>)
    %dma_wait3A_83 = arith.constant 0 : i32
    %dma_wait3A_84 = arith.constant 1 : i32
    %dma_wait3A_85 = arith.constant 1 : i32
    %dma_wait3A_86 = arith.constant 0 : i32
    %dma_wait3A_87 = tpu.memref_slice %arg6[%dma_wait3A_85, %dma_wait3A_86] : memref<5x128xf32, #tpu.memory_space<vmem>> -> memref<1x128xf32, #tpu.memory_space<vmem>>
    %dma_wait3A_88 = tpu.memref_squeeze %dma_wait3A_87 : memref<1x128xf32, #tpu.memory_space<vmem>> -> memref<128xf32, #tpu.memory_space<vmem>>
    %dma_wait3A_89 = arith.constant 0 : i32
    %dma_wait3A_90 = tpu.memref_slice %arg5[%dma_wait3A_84, %dma_wait3A_89] : memref<5x128xi32, #tpu.memory_space<vmem>> -> memref<1x128xi32, #tpu.memory_space<vmem>>
    %dma_wait3A_91 = tpu.memref_squeeze %dma_wait3A_90 : memref<1x128xi32, #tpu.memory_space<vmem>> -> memref<128xi32, #tpu.memory_space<vmem>>
    %dma_wait3A_92 = arith.constant 0 : i32
    %dma_wait3A_93 = tpu.memref_slice %arg3[%dma_wait3A_83, %dma_wait3A_92] : memref<1x100000xf32, #tpu.memory_space<hbm>> -> memref<1x100000xf32, #tpu.memory_space<hbm>>
    %dma_wait3A_94 = tpu.memref_squeeze %dma_wait3A_93 : memref<1x100000xf32, #tpu.memory_space<hbm>> -> memref<100000xf32, #tpu.memory_space<hbm>>
    %dma_wait3A_95 = arith.constant 0 : i32
    %dma_wait3A_96 = tpu.memref_slice %dma_wait3A_94[%dma_wait3A_95] : memref<100000xf32, #tpu.memory_space<hbm>> -> memref<100000xf32, #tpu.memory_space<hbm>>
    tpu.wait_indirect_dma semaphore(%arg8 : memref<!tpu.dma_semaphore, #tpu.memory_space<semaphore_mem>>) src(%dma_wait3A_96 : memref<100000xf32, #tpu.memory_space<hbm>>) dst(%dma_wait3A_88 : memref<128xf32, #tpu.memory_space<vmem>>)
    %dma_wait3A_97 = arith.constant 0 : i32
    %dma_wait3A_98 = arith.constant 2 : i32
    %dma_wait3A_99 = arith.constant 2 : i32
    %dma_wait3A_100 = arith.constant 0 : i32
    %dma_wait3A_101 = tpu.memref_slice %arg6[%dma_wait3A_99, %dma_wait3A_100] : memref<5x128xf32, #tpu.memory_space<vmem>> -> memref<1x128xf32, #tpu.memory_space<vmem>>
    %dma_wait3A_102 = tpu.memref_squeeze %dma_wait3A_101 : memref<1x128xf32, #tpu.memory_space<vmem>> -> memref<128xf32, #tpu.memory_space<vmem>>
    %dma_wait3A_103 = arith.constant 0 : i32
    %dma_wait3A_104 = tpu.memref_slice %arg5[%dma_wait3A_98, %dma_wait3A_103] : memref<5x128xi32, #tpu.memory_space<vmem>> -> memref<1x128xi32, #tpu.memory_space<vmem>>
    %dma_wait3A_105 = tpu.memref_squeeze %dma_wait3A_104 : memref<1x128xi32, #tpu.memory_space<vmem>> -> memref<128xi32, #tpu.memory_space<vmem>>
    %dma_wait3A_106 = arith.constant 0 : i32
    %dma_wait3A_107 = tpu.memref_slice %arg3[%dma_wait3A_97, %dma_wait3A_106] : memref<1x100000xf32, #tpu.memory_space<hbm>> -> memref<1x100000xf32, #tpu.memory_space<hbm>>
    %dma_wait3A_108 = tpu.memref_squeeze %dma_wait3A_107 : memref<1x100000xf32, #tpu.memory_space<hbm>> -> memref<100000xf32, #tpu.memory_space<hbm>>
    %dma_wait3A_109 = arith.constant 0 : i32
    %dma_wait3A_110 = tpu.memref_slice %dma_wait3A_108[%dma_wait3A_109] : memref<100000xf32, #tpu.memory_space<hbm>> -> memref<100000xf32, #tpu.memory_space<hbm>>
    tpu.wait_indirect_dma semaphore(%arg8 : memref<!tpu.dma_semaphore, #tpu.memory_space<semaphore_mem>>) src(%dma_wait3A_110 : memref<100000xf32, #tpu.memory_space<hbm>>) dst(%dma_wait3A_102 : memref<128xf32, #tpu.memory_space<vmem>>)
    %dma_wait3A_111 = arith.constant 0 : i32
    %dma_wait3A_112 = arith.constant 3 : i32
    %dma_wait3A_113 = arith.constant 3 : i32
    %dma_wait3A_114 = arith.constant 0 : i32
    %dma_wait3A_115 = tpu.memref_slice %arg6[%dma_wait3A_113, %dma_wait3A_114] : memref<5x128xf32, #tpu.memory_space<vmem>> -> memref<1x128xf32, #tpu.memory_space<vmem>>
    %dma_wait3A_116 = tpu.memref_squeeze %dma_wait3A_115 : memref<1x128xf32, #tpu.memory_space<vmem>> -> memref<128xf32, #tpu.memory_space<vmem>>
    %dma_wait3A_117 = arith.constant 0 : i32
    %dma_wait3A_118 = tpu.memref_slice %arg5[%dma_wait3A_112, %dma_wait3A_117] : memref<5x128xi32, #tpu.memory_space<vmem>> -> memref<1x128xi32, #tpu.memory_space<vmem>>
    %dma_wait3A_119 = tpu.memref_squeeze %dma_wait3A_118 : memref<1x128xi32, #tpu.memory_space<vmem>> -> memref<128xi32, #tpu.memory_space<vmem>>
    %dma_wait3A_120 = arith.constant 0 : i32
    %dma_wait3A_121 = tpu.memref_slice %arg3[%dma_wait3A_111, %dma_wait3A_120] : memref<1x100000xf32, #tpu.memory_space<hbm>> -> memref<1x100000xf32, #tpu.memory_space<hbm>>
    %dma_wait3A_122 = tpu.memref_squeeze %dma_wait3A_121 : memref<1x100000xf32, #tpu.memory_space<hbm>> -> memref<100000xf32, #tpu.memory_space<hbm>>
    %dma_wait3A_123 = arith.constant 0 : i32
    %dma_wait3A_124 = tpu.memref_slice %dma_wait3A_122[%dma_wait3A_123] : memref<100000xf32, #tpu.memory_space<hbm>> -> memref<100000xf32, #tpu.memory_space<hbm>>
    tpu.wait_indirect_dma semaphore(%arg8 : memref<!tpu.dma_semaphore, #tpu.memory_space<semaphore_mem>>) src(%dma_wait3A_124 : memref<100000xf32, #tpu.memory_space<hbm>>) dst(%dma_wait3A_116 : memref<128xf32, #tpu.memory_space<vmem>>)
    %dma_wait3A_125 = arith.constant 0 : i32
    %dma_wait3A_126 = arith.constant 4 : i32
    %dma_wait3A_127 = arith.constant 4 : i32
    %dma_wait3A_128 = arith.constant 0 : i32
    %dma_wait3A_129 = tpu.memref_slice %arg6[%dma_wait3A_127, %dma_wait3A_128] : memref<5x128xf32, #tpu.memory_space<vmem>> -> memref<1x128xf32, #tpu.memory_space<vmem>>
    %dma_wait3A_130 = tpu.memref_squeeze %dma_wait3A_129 : memref<1x128xf32, #tpu.memory_space<vmem>> -> memref<128xf32, #tpu.memory_space<vmem>>
    %dma_wait3A_131 = arith.constant 0 : i32
    %dma_wait3A_132 = tpu.memref_slice %arg5[%dma_wait3A_126, %dma_wait3A_131] : memref<5x128xi32, #tpu.memory_space<vmem>> -> memref<1x128xi32, #tpu.memory_space<vmem>>
    %dma_wait3A_133 = tpu.memref_squeeze %dma_wait3A_132 : memref<1x128xi32, #tpu.memory_space<vmem>> -> memref<128xi32, #tpu.memory_space<vmem>>
    %dma_wait3A_134 = arith.constant 0 : i32
    %dma_wait3A_135 = tpu.memref_slice %arg3[%dma_wait3A_125, %dma_wait3A_134] : memref<1x100000xf32, #tpu.memory_space<hbm>> -> memref<1x100000xf32, #tpu.memory_space<hbm>>
    %dma_wait3A_136 = tpu.memref_squeeze %dma_wait3A_135 : memref<1x100000xf32, #tpu.memory_space<hbm>> -> memref<100000xf32, #tpu.memory_space<hbm>>
    %dma_wait3A_137 = arith.constant 0 : i32
    %dma_wait3A_138 = tpu.memref_slice %dma_wait3A_136[%dma_wait3A_137] : memref<100000xf32, #tpu.memory_space<hbm>> -> memref<100000xf32, #tpu.memory_space<hbm>>
    tpu.wait_indirect_dma semaphore(%arg8 : memref<!tpu.dma_semaphore, #tpu.memory_space<semaphore_mem>>) src(%dma_wait3A_138 : memref<100000xf32, #tpu.memory_space<hbm>>) dst(%dma_wait3A_130 : memref<128xf32, #tpu.memory_space<vmem>>)
    %broadcast_in_dim3A = arith.constant 0.000000e+00 : f32
    %broadcast_in_dim3A_139 = vector.broadcast %broadcast_in_dim3A : f32 to vector<16xf32>
    %scan3A = arith.constant 0 : i32
    %scan3A_140 = arith.constant 0 : i32
    %scan3A_141 = arith.constant 2 : i32
    %scan3A_142 = arith.addi %scan3A_140, %scan3A_141 : i32
    %scan3A_143 = arith.constant 1 : i32
    scf.for %scan3A_147 = %scan3A_140 to %scan3A_142 step %scan3A_143  : i32 {
      %mul3A_148 = arith.constant 16 : i32
      %mul3A_149 = arith.muli %scan3A_147, %mul3A_148 : i32
      %add3A_150 = arith.constant 0 : i32
      %add3A_151 = arith.addi %add3A_150, %mul3A_149 : i32
      %get3A = arith.constant 0 : i32
      %get3A_152 = arith.index_cast %get3A : i32 to index
      %get3A_153 = arith.index_cast %add3A_151 : i32 to index
      %get3A_154 = tpu.vector_load %arg5[%get3A_152, %get3A_153] {strides = array<i32>} : memref<5x128xi32, #tpu.memory_space<vmem>>, vector<1x16xi32>,
      %get3A_155 = vector.shape_cast %get3A_154 : vector<1x16xi32> to vector<16xi32>
      %mul3A_156 = arith.constant 16 : i32
      %mul3A_157 = arith.muli %scan3A_147, %mul3A_156 : i32
      %add3A_158 = arith.constant 32 : i32
      %add3A_159 = arith.addi %add3A_158, %mul3A_157 : i32
      %get3A_160 = arith.constant 0 : i32
      %get3A_161 = arith.index_cast %get3A_160 : i32 to index
      %get3A_162 = arith.index_cast %add3A_159 : i32 to index
      %get3A_163 = tpu.vector_load %arg5[%get3A_161, %get3A_162] {strides = array<i32>} : memref<5x128xi32, #tpu.memory_space<vmem>>, vector<1x16xi32>,
      %get3A_164 = vector.shape_cast %get3A_163 : vector<1x16xi32> to vector<16xi32>
      %mul3A_165 = arith.constant 16 : i32
      %mul3A_166 = arith.muli %scan3A_147, %mul3A_165 : i32
      %add3A_167 = arith.constant 64 : i32
      %add3A_168 = arith.addi %add3A_167, %mul3A_166 : i32
      %get3A_169 = arith.constant 0 : i32
      %get3A_170 = arith.index_cast %get3A_169 : i32 to index
      %get3A_171 = arith.index_cast %add3A_168 : i32 to index
      %get3A_172 = tpu.vector_load %arg5[%get3A_170, %get3A_171] {strides = array<i32>} : memref<5x128xi32, #tpu.memory_space<vmem>>, vector<1x16xi32>,
      %get3A_173 = vector.shape_cast %get3A_172 : vector<1x16xi32> to vector<16xi32>
      %mul3A_174 = arith.constant 16 : i32
      %mul3A_175 = arith.muli %scan3A_147, %mul3A_174 : i32
      %add3A_176 = arith.constant 96 : i32
      %add3A_177 = arith.addi %add3A_176, %mul3A_175 : i32
      %get3A_178 = arith.constant 0 : i32
      %get3A_179 = arith.index_cast %get3A_178 : i32 to index
      %get3A_180 = arith.index_cast %add3A_177 : i32 to index
      %get3A_181 = tpu.vector_load %arg5[%get3A_179, %get3A_180] {strides = array<i32>} : memref<5x128xi32, #tpu.memory_space<vmem>>, vector<1x16xi32>,
      %get3A_182 = vector.shape_cast %get3A_181 : vector<1x16xi32> to vector<16xi32>
      %mul3A_183 = arith.constant 16 : i32
      %mul3A_184 = arith.muli %scan3A_147, %mul3A_183 : i32
      %add3A_185 = arith.constant 0 : i32
      %add3A_186 = arith.addi %add3A_185, %mul3A_184 : i32
      %get3A_187 = arith.constant 1 : i32
      %get3A_188 = arith.index_cast %get3A_187 : i32 to index
      %get3A_189 = arith.index_cast %add3A_186 : i32 to index
      %get3A_190 = tpu.vector_load %arg5[%get3A_188, %get3A_189] {strides = array<i32>} : memref<5x128xi32, #tpu.memory_space<vmem>>, vector<1x16xi32>,
      %get3A_191 = vector.shape_cast %get3A_190 : vector<1x16xi32> to vector<16xi32>
      %mul3A_192 = arith.constant 16 : i32
      %mul3A_193 = arith.muli %scan3A_147, %mul3A_192 : i32
      %add3A_194 = arith.constant 32 : i32
      %add3A_195 = arith.addi %add3A_194, %mul3A_193 : i32
      %get3A_196 = arith.constant 1 : i32
      %get3A_197 = arith.index_cast %get3A_196 : i32 to index
      %get3A_198 = arith.index_cast %add3A_195 : i32 to index
      %get3A_199 = tpu.vector_load %arg5[%get3A_197, %get3A_198] {strides = array<i32>} : memref<5x128xi32, #tpu.memory_space<vmem>>, vector<1x16xi32>,
      %get3A_200 = vector.shape_cast %get3A_199 : vector<1x16xi32> to vector<16xi32>
      %mul3A_201 = arith.constant 16 : i32
      %mul3A_202 = arith.muli %scan3A_147, %mul3A_201 : i32
      %add3A_203 = arith.constant 64 : i32
      %add3A_204 = arith.addi %add3A_203, %mul3A_202 : i32
      %get3A_205 = arith.constant 1 : i32
      %get3A_206 = arith.index_cast %get3A_205 : i32 to index
      %get3A_207 = arith.index_cast %add3A_204 : i32 to index
      %get3A_208 = tpu.vector_load %arg5[%get3A_206, %get3A_207] {strides = array<i32>} : memref<5x128xi32, #tpu.memory_space<vmem>>, vector<1x16xi32>,
      %get3A_209 = vector.shape_cast %get3A_208 : vector<1x16xi32> to vector<16xi32>
      %mul3A_210 = arith.constant 16 : i32
      %mul3A_211 = arith.muli %scan3A_147, %mul3A_210 : i32
      %add3A_212 = arith.constant 96 : i32
      %add3A_213 = arith.addi %add3A_212, %mul3A_211 : i32
      %get3A_214 = arith.constant 1 : i32
      %get3A_215 = arith.index_cast %get3A_214 : i32 to index
      %get3A_216 = arith.index_cast %add3A_213 : i32 to index
      %get3A_217 = tpu.vector_load %arg5[%get3A_215, %get3A_216] {strides = array<i32>} : memref<5x128xi32, #tpu.memory_space<vmem>>, vector<1x16xi32>,
      %get3A_218 = vector.shape_cast %get3A_217 : vector<1x16xi32> to vector<16xi32>
      %mul3A_219 = arith.constant 16 : i32
      %mul3A_220 = arith.muli %scan3A_147, %mul3A_219 : i32
      %add3A_221 = arith.constant 0 : i32
      %add3A_222 = arith.addi %add3A_221, %mul3A_220 : i32
      %get3A_223 = arith.constant 2 : i32
      %get3A_224 = arith.index_cast %get3A_223 : i32 to index
      %get3A_225 = arith.index_cast %add3A_222 : i32 to index
      %get3A_226 = tpu.vector_load %arg5[%get3A_224, %get3A_225] {strides = array<i32>} : memref<5x128xi32, #tpu.memory_space<vmem>>, vector<1x16xi32>,
      %get3A_227 = vector.shape_cast %get3A_226 : vector<1x16xi32> to vector<16xi32>
      %mul3A_228 = arith.constant 16 : i32
      %mul3A_229 = arith.muli %scan3A_147, %mul3A_228 : i32
      %add3A_230 = arith.constant 32 : i32
      %add3A_231 = arith.addi %add3A_230, %mul3A_229 : i32
      %get3A_232 = arith.constant 2 : i32
      %get3A_233 = arith.index_cast %get3A_232 : i32 to index
      %get3A_234 = arith.index_cast %add3A_231 : i32 to index
      %get3A_235 = tpu.vector_load %arg5[%get3A_233, %get3A_234] {strides = array<i32>} : memref<5x128xi32, #tpu.memory_space<vmem>>, vector<1x16xi32>,
      %get3A_236 = vector.shape_cast %get3A_235 : vector<1x16xi32> to vector<16xi32>
      %mul3A_237 = arith.constant 16 : i32
      %mul3A_238 = arith.muli %scan3A_147, %mul3A_237 : i32
      %add3A_239 = arith.constant 64 : i32
      %add3A_240 = arith.addi %add3A_239, %mul3A_238 : i32
      %get3A_241 = arith.constant 2 : i32
      %get3A_242 = arith.index_cast %get3A_241 : i32 to index
      %get3A_243 = arith.index_cast %add3A_240 : i32 to index
      %get3A_244 = tpu.vector_load %arg5[%get3A_242, %get3A_243] {strides = array<i32>} : memref<5x128xi32, #tpu.memory_space<vmem>>, vector<1x16xi32>,
      %get3A_245 = vector.shape_cast %get3A_244 : vector<1x16xi32> to vector<16xi32>
      %mul3A_246 = arith.constant 16 : i32
      %mul3A_247 = arith.muli %scan3A_147, %mul3A_246 : i32
      %add3A_248 = arith.constant 96 : i32
      %add3A_249 = arith.addi %add3A_248, %mul3A_247 : i32
      %get3A_250 = arith.constant 2 : i32
      %get3A_251 = arith.index_cast %get3A_250 : i32 to index
      %get3A_252 = arith.index_cast %add3A_249 : i32 to index
      %get3A_253 = tpu.vector_load %arg5[%get3A_251, %get3A_252] {strides = array<i32>} : memref<5x128xi32, #tpu.memory_space<vmem>>, vector<1x16xi32>,
      %get3A_254 = vector.shape_cast %get3A_253 : vector<1x16xi32> to vector<16xi32>
      %mul3A_255 = arith.constant 16 : i32
      %mul3A_256 = arith.muli %scan3A_147, %mul3A_255 : i32
      %add3A_257 = arith.constant 0 : i32
      %add3A_258 = arith.addi %add3A_257, %mul3A_256 : i32
      %get3A_259 = arith.constant 3 : i32
      %get3A_260 = arith.index_cast %get3A_259 : i32 to index
      %get3A_261 = arith.index_cast %add3A_258 : i32 to index
      %get3A_262 = tpu.vector_load %arg5[%get3A_260, %get3A_261] {strides = array<i32>} : memref<5x128xi32, #tpu.memory_space<vmem>>, vector<1x16xi32>,
      %get3A_263 = vector.shape_cast %get3A_262 : vector<1x16xi32> to vector<16xi32>
      %mul3A_264 = arith.constant 16 : i32
      %mul3A_265 = arith.muli %scan3A_147, %mul3A_264 : i32
      %add3A_266 = arith.constant 32 : i32
      %add3A_267 = arith.addi %add3A_266, %mul3A_265 : i32
      %get3A_268 = arith.constant 3 : i32
      %get3A_269 = arith.index_cast %get3A_268 : i32 to index
      %get3A_270 = arith.index_cast %add3A_267 : i32 to index
      %get3A_271 = tpu.vector_load %arg5[%get3A_269, %get3A_270] {strides = array<i32>} : memref<5x128xi32, #tpu.memory_space<vmem>>, vector<1x16xi32>,
      %get3A_272 = vector.shape_cast %get3A_271 : vector<1x16xi32> to vector<16xi32>
      %mul3A_273 = arith.constant 16 : i32
      %mul3A_274 = arith.muli %scan3A_147, %mul3A_273 : i32
      %add3A_275 = arith.constant 64 : i32
      %add3A_276 = arith.addi %add3A_275, %mul3A_274 : i32
      %get3A_277 = arith.constant 3 : i32
      %get3A_278 = arith.index_cast %get3A_277 : i32 to index
      %get3A_279 = arith.index_cast %add3A_276 : i32 to index
      %get3A_280 = tpu.vector_load %arg5[%get3A_278, %get3A_279] {strides = array<i32>} : memref<5x128xi32, #tpu.memory_space<vmem>>, vector<1x16xi32>,
      %get3A_281 = vector.shape_cast %get3A_280 : vector<1x16xi32> to vector<16xi32>
      %mul3A_282 = arith.constant 16 : i32
      %mul3A_283 = arith.muli %scan3A_147, %mul3A_282 : i32
      %add3A_284 = arith.constant 96 : i32
      %add3A_285 = arith.addi %add3A_284, %mul3A_283 : i32
      %get3A_286 = arith.constant 3 : i32
      %get3A_287 = arith.index_cast %get3A_286 : i32 to index
      %get3A_288 = arith.index_cast %add3A_285 : i32 to index
      %get3A_289 = tpu.vector_load %arg5[%get3A_287, %get3A_288] {strides = array<i32>} : memref<5x128xi32, #tpu.memory_space<vmem>>, vector<1x16xi32>,
      %get3A_290 = vector.shape_cast %get3A_289 : vector<1x16xi32> to vector<16xi32>
      %mul3A_291 = arith.constant 16 : i32
      %mul3A_292 = arith.muli %scan3A_147, %mul3A_291 : i32
      %add3A_293 = arith.constant 0 : i32
      %add3A_294 = arith.addi %add3A_293, %mul3A_292 : i32
      %get3A_295 = arith.constant 4 : i32
      %get3A_296 = arith.index_cast %get3A_295 : i32 to index
      %get3A_297 = arith.index_cast %add3A_294 : i32 to index
      %get3A_298 = tpu.vector_load %arg5[%get3A_296, %get3A_297] {strides = array<i32>} : memref<5x128xi32, #tpu.memory_space<vmem>>, vector<1x16xi32>,
      %get3A_299 = vector.shape_cast %get3A_298 : vector<1x16xi32> to vector<16xi32>
      %mul3A_300 = arith.constant 16 : i32
      %mul3A_301 = arith.muli %scan3A_147, %mul3A_300 : i32
      %add3A_302 = arith.constant 32 : i32
      %add3A_303 = arith.addi %add3A_302, %mul3A_301 : i32
      %get3A_304 = arith.constant 4 : i32
      %get3A_305 = arith.index_cast %get3A_304 : i32 to index
      %get3A_306 = arith.index_cast %add3A_303 : i32 to index
      %get3A_307 = tpu.vector_load %arg5[%get3A_305, %get3A_306] {strides = array<i32>} : memref<5x128xi32, #tpu.memory_space<vmem>>, vector<1x16xi32>,
      %get3A_308 = vector.shape_cast %get3A_307 : vector<1x16xi32> to vector<16xi32>
      %mul3A_309 = arith.constant 16 : i32
      %mul3A_310 = arith.muli %scan3A_147, %mul3A_309 : i32
      %add3A_311 = arith.constant 64 : i32
      %add3A_312 = arith.addi %add3A_311, %mul3A_310 : i32
      %get3A_313 = arith.constant 4 : i32
      %get3A_314 = arith.index_cast %get3A_313 : i32 to index
      %get3A_315 = arith.index_cast %add3A_312 : i32 to index
      %get3A_316 = tpu.vector_load %arg5[%get3A_314, %get3A_315] {strides = array<i32>} : memref<5x128xi32, #tpu.memory_space<vmem>>, vector<1x16xi32>,
      %get3A_317 = vector.shape_cast %get3A_316 : vector<1x16xi32> to vector<16xi32>
      %mul3A_318 = arith.constant 16 : i32
      %mul3A_319 = arith.muli %scan3A_147, %mul3A_318 : i32
      %add3A_320 = arith.constant 96 : i32
      %add3A_321 = arith.addi %add3A_320, %mul3A_319 : i32
      %get3A_322 = arith.constant 4 : i32
      %get3A_323 = arith.index_cast %get3A_322 : i32 to index
      %get3A_324 = arith.index_cast %add3A_321 : i32 to index
      %get3A_325 = tpu.vector_load %arg5[%get3A_323, %get3A_324] {strides = array<i32>} : memref<5x128xi32, #tpu.memory_space<vmem>>, vector<1x16xi32>,
      %get3A_326 = vector.shape_cast %get3A_325 : vector<1x16xi32> to vector<16xi32>
      %mul3A_327 = arith.constant 16 : i32
      %mul3A_328 = arith.muli %scan3A_147, %mul3A_327 : i32
      %add3A_329 = arith.constant 0 : i32
      %add3A_330 = arith.addi %add3A_329, %mul3A_328 : i32
      %get3A_331 = arith.constant 0 : i32
      %get3A_332 = arith.index_cast %get3A_331 : i32 to index
      %get3A_333 = arith.index_cast %add3A_330 : i32 to index
      %get3A_334 = tpu.vector_load %arg6[%get3A_332, %get3A_333] {strides = array<i32>} : memref<5x128xf32, #tpu.memory_space<vmem>>, vector<1x16xf32>,
      %get3A_335 = vector.shape_cast %get3A_334 : vector<1x16xf32> to vector<16xf32>
      %add3A_336 = arith.addf %broadcast_in_dim3A_139, %get3A_335 : vector<16xf32>
      %eq3A = arith.cmpi eq, %get3A_155, %get3A_164 : vector<16xi32>
      %mul3A_337 = arith.constant 16 : i32
      %mul3A_338 = arith.muli %scan3A_147, %mul3A_337 : i32
      %add3A_339 = arith.constant 32 : i32
      %add3A_340 = arith.addi %add3A_339, %mul3A_338 : i32
      %get3A_341 = arith.constant 0 : i32
      %get3A_342 = arith.index_cast %get3A_341 : i32 to index
      %get3A_343 = arith.index_cast %add3A_340 : i32 to index
      %get3A_344 = tpu.vector_load %arg6[%get3A_342, %get3A_343] {strides = array<i32>} : memref<5x128xf32, #tpu.memory_space<vmem>>, vector<1x16xf32>,
      %get3A_345 = vector.shape_cast %get3A_344 : vector<1x16xf32> to vector<16xf32>
      %jit3A = arith.constant 0.000000e+00 : f32
      %broadcast_in_dim3A_346 = vector.broadcast %jit3A : f32 to vector<16xf32>
      %select_n3A = arith.select %eq3A, %broadcast_in_dim3A_346, %get3A_345 : vector<16xi1>, vector<16xf32>
      %add3A_347 = arith.addf %add3A_336, %select_n3A : vector<16xf32>
      %eq3A_348 = arith.cmpi eq, %get3A_155, %get3A_173 : vector<16xi32>
      %eq3A_349 = arith.cmpi eq, %get3A_164, %get3A_173 : vector<16xi32>
      %or3A = arith.ori %eq3A_348, %eq3A_349 : vector<16xi1>
      %mul3A_350 = arith.constant 16 : i32
      %mul3A_351 = arith.muli %scan3A_147, %mul3A_350 : i32
      %add3A_352 = arith.constant 64 : i32
      %add3A_353 = arith.addi %add3A_352, %mul3A_351 : i32
      %get3A_354 = arith.constant 0 : i32
      %get3A_355 = arith.index_cast %get3A_354 : i32 to index
      %get3A_356 = arith.index_cast %add3A_353 : i32 to index
      %get3A_357 = tpu.vector_load %arg6[%get3A_355, %get3A_356] {strides = array<i32>} : memref<5x128xf32, #tpu.memory_space<vmem>>, vector<1x16xf32>,
      %get3A_358 = vector.shape_cast %get3A_357 : vector<1x16xf32> to vector<16xf32>
      %jit3A_359 = arith.constant 0.000000e+00 : f32
      %broadcast_in_dim3A_360 = vector.broadcast %jit3A_359 : f32 to vector<16xf32>
      %select_n3A_361 = arith.select %or3A, %broadcast_in_dim3A_360, %get3A_358 : vector<16xi1>, vector<16xf32>
      %add3A_362 = arith.addf %add3A_347, %select_n3A_361 : vector<16xf32>
      %eq3A_363 = arith.cmpi eq, %get3A_155, %get3A_182 : vector<16xi32>
      %eq3A_364 = arith.cmpi eq, %get3A_164, %get3A_182 : vector<16xi32>
      %or3A_365 = arith.ori %eq3A_363, %eq3A_364 : vector<16xi1>
      %eq3A_366 = arith.cmpi eq, %get3A_173, %get3A_182 : vector<16xi32>
      %or3A_367 = arith.ori %or3A_365, %eq3A_366 : vector<16xi1>
      %mul3A_368 = arith.constant 16 : i32
      %mul3A_369 = arith.muli %scan3A_147, %mul3A_368 : i32
      %add3A_370 = arith.constant 96 : i32
      %add3A_371 = arith.addi %add3A_370, %mul3A_369 : i32
      %get3A_372 = arith.constant 0 : i32
      %get3A_373 = arith.index_cast %get3A_372 : i32 to index
      %get3A_374 = arith.index_cast %add3A_371 : i32 to index
      %get3A_375 = tpu.vector_load %arg6[%get3A_373, %get3A_374] {strides = array<i32>} : memref<5x128xf32, #tpu.memory_space<vmem>>, vector<1x16xf32>,
      %get3A_376 = vector.shape_cast %get3A_375 : vector<1x16xf32> to vector<16xf32>
      %jit3A_377 = arith.constant 0.000000e+00 : f32
      %broadcast_in_dim3A_378 = vector.broadcast %jit3A_377 : f32 to vector<16xf32>
      %select_n3A_379 = arith.select %or3A_367, %broadcast_in_dim3A_378, %get3A_376 : vector<16xi1>, vector<16xf32>
      %add3A_380 = arith.addf %add3A_362, %select_n3A_379 : vector<16xf32>
      %eq3A_381 = arith.cmpi eq, %get3A_155, %get3A_191 : vector<16xi32>
      %eq3A_382 = arith.cmpi eq, %get3A_164, %get3A_191 : vector<16xi32>
      %or3A_383 = arith.ori %eq3A_381, %eq3A_382 : vector<16xi1>
      %eq3A_384 = arith.cmpi eq, %get3A_173, %get3A_191 : vector<16xi32>
      %or3A_385 = arith.ori %or3A_383, %eq3A_384 : vector<16xi1>
      %eq3A_386 = arith.cmpi eq, %get3A_182, %get3A_191 : vector<16xi32>
      %or3A_387 = arith.ori %or3A_385, %eq3A_386 : vector<16xi1>
      %mul3A_388 = arith.constant 16 : i32
      %mul3A_389 = arith.muli %scan3A_147, %mul3A_388 : i32
      %add3A_390 = arith.constant 0 : i32
      %add3A_391 = arith.addi %add3A_390, %mul3A_389 : i32
      %get3A_392 = arith.constant 1 : i32
      %get3A_393 = arith.index_cast %get3A_392 : i32 to index
      %get3A_394 = arith.index_cast %add3A_391 : i32 to index
      %get3A_395 = tpu.vector_load %arg6[%get3A_393, %get3A_394] {strides = array<i32>} : memref<5x128xf32, #tpu.memory_space<vmem>>, vector<1x16xf32>,
      %get3A_396 = vector.shape_cast %get3A_395 : vector<1x16xf32> to vector<16xf32>
      %jit3A_397 = arith.constant 0.000000e+00 : f32
      %broadcast_in_dim3A_398 = vector.broadcast %jit3A_397 : f32 to vector<16xf32>
      %select_n3A_399 = arith.select %or3A_387, %broadcast_in_dim3A_398, %get3A_396 : vector<16xi1>, vector<16xf32>
      %add3A_400 = arith.addf %add3A_380, %select_n3A_399 : vector<16xf32>
      %eq3A_401 = arith.cmpi eq, %get3A_155, %get3A_200 : vector<16xi32>
      %eq3A_402 = arith.cmpi eq, %get3A_164, %get3A_200 : vector<16xi32>
      %or3A_403 = arith.ori %eq3A_401, %eq3A_402 : vector<16xi1>
      %eq3A_404 = arith.cmpi eq, %get3A_173, %get3A_200 : vector<16xi32>
      %or3A_405 = arith.ori %or3A_403, %eq3A_404 : vector<16xi1>
      %eq3A_406 = arith.cmpi eq, %get3A_182, %get3A_200 : vector<16xi32>
      %or3A_407 = arith.ori %or3A_405, %eq3A_406 : vector<16xi1>
      %eq3A_408 = arith.cmpi eq, %get3A_191, %get3A_200 : vector<16xi32>
      %or3A_409 = arith.ori %or3A_407, %eq3A_408 : vector<16xi1>
      %mul3A_410 = arith.constant 16 : i32
      %mul3A_411 = arith.muli %scan3A_147, %mul3A_410 : i32
      %add3A_412 = arith.constant 32 : i32
      %add3A_413 = arith.addi %add3A_412, %mul3A_411 : i32
      %get3A_414 = arith.constant 1 : i32
      %get3A_415 = arith.index_cast %get3A_414 : i32 to index
      %get3A_416 = arith.index_cast %add3A_413 : i32 to index
      %get3A_417 = tpu.vector_load %arg6[%get3A_415, %get3A_416] {strides = array<i32>} : memref<5x128xf32, #tpu.memory_space<vmem>>, vector<1x16xf32>,
      %get3A_418 = vector.shape_cast %get3A_417 : vector<1x16xf32> to vector<16xf32>
      %jit3A_419 = arith.constant 0.000000e+00 : f32
      %broadcast_in_dim3A_420 = vector.broadcast %jit3A_419 : f32 to vector<16xf32>
      %select_n3A_421 = arith.select %or3A_409, %broadcast_in_dim3A_420, %get3A_418 : vector<16xi1>, vector<16xf32>
      %add3A_422 = arith.addf %add3A_400, %select_n3A_421 : vector<16xf32>
      %eq3A_423 = arith.cmpi eq, %get3A_155, %get3A_209 : vector<16xi32>
      %eq3A_424 = arith.cmpi eq, %get3A_164, %get3A_209 : vector<16xi32>
      %or3A_425 = arith.ori %eq3A_423, %eq3A_424 : vector<16xi1>
      %eq3A_426 = arith.cmpi eq, %get3A_173, %get3A_209 : vector<16xi32>
      %or3A_427 = arith.ori %or3A_425, %eq3A_426 : vector<16xi1>
      %eq3A_428 = arith.cmpi eq, %get3A_182, %get3A_209 : vector<16xi32>
      %or3A_429 = arith.ori %or3A_427, %eq3A_428 : vector<16xi1>
      %eq3A_430 = arith.cmpi eq, %get3A_191, %get3A_209 : vector<16xi32>
      %or3A_431 = arith.ori %or3A_429, %eq3A_430 : vector<16xi1>
      %eq3A_432 = arith.cmpi eq, %get3A_200, %get3A_209 : vector<16xi32>
      %or3A_433 = arith.ori %or3A_431, %eq3A_432 : vector<16xi1>
      %mul3A_434 = arith.constant 16 : i32
      %mul3A_435 = arith.muli %scan3A_147, %mul3A_434 : i32
      %add3A_436 = arith.constant 64 : i32
      %add3A_437 = arith.addi %add3A_436, %mul3A_435 : i32
      %get3A_438 = arith.constant 1 : i32
      %get3A_439 = arith.index_cast %get3A_438 : i32 to index
      %get3A_440 = arith.index_cast %add3A_437 : i32 to index
      %get3A_441 = tpu.vector_load %arg6[%get3A_439, %get3A_440] {strides = array<i32>} : memref<5x128xf32, #tpu.memory_space<vmem>>, vector<1x16xf32>,
      %get3A_442 = vector.shape_cast %get3A_441 : vector<1x16xf32> to vector<16xf32>
      %jit3A_443 = arith.constant 0.000000e+00 : f32
      %broadcast_in_dim3A_444 = vector.broadcast %jit3A_443 : f32 to vector<16xf32>
      %select_n3A_445 = arith.select %or3A_433, %broadcast_in_dim3A_444, %get3A_442 : vector<16xi1>, vector<16xf32>
      %add3A_446 = arith.addf %add3A_422, %select_n3A_445 : vector<16xf32>
      %eq3A_447 = arith.cmpi eq, %get3A_155, %get3A_218 : vector<16xi32>
      %eq3A_448 = arith.cmpi eq, %get3A_164, %get3A_218 : vector<16xi32>
      %or3A_449 = arith.ori %eq3A_447, %eq3A_448 : vector<16xi1>
      %eq3A_450 = arith.cmpi eq, %get3A_173, %get3A_218 : vector<16xi32>
      %or3A_451 = arith.ori %or3A_449, %eq3A_450 : vector<16xi1>
      %eq3A_452 = arith.cmpi eq, %get3A_182, %get3A_218 : vector<16xi32>
      %or3A_453 = arith.ori %or3A_451, %eq3A_452 : vector<16xi1>
      %eq3A_454 = arith.cmpi eq, %get3A_191, %get3A_218 : vector<16xi32>
      %or3A_455 = arith.ori %or3A_453, %eq3A_454 : vector<16xi1>
      %eq3A_456 = arith.cmpi eq, %get3A_200, %get3A_218 : vector<16xi32>
      %or3A_457 = arith.ori %or3A_455, %eq3A_456 : vector<16xi1>
      %eq3A_458 = arith.cmpi eq, %get3A_209, %get3A_218 : vector<16xi32>
      %or3A_459 = arith.ori %or3A_457, %eq3A_458 : vector<16xi1>
      %mul3A_460 = arith.constant 16 : i32
      %mul3A_461 = arith.muli %scan3A_147, %mul3A_460 : i32
      %add3A_462 = arith.constant 96 : i32
      %add3A_463 = arith.addi %add3A_462, %mul3A_461 : i32
      %get3A_464 = arith.constant 1 : i32
      %get3A_465 = arith.index_cast %get3A_464 : i32 to index
      %get3A_466 = arith.index_cast %add3A_463 : i32 to index
      %get3A_467 = tpu.vector_load %arg6[%get3A_465, %get3A_466] {strides = array<i32>} : memref<5x128xf32, #tpu.memory_space<vmem>>, vector<1x16xf32>,
      %get3A_468 = vector.shape_cast %get3A_467 : vector<1x16xf32> to vector<16xf32>
      %jit3A_469 = arith.constant 0.000000e+00 : f32
      %broadcast_in_dim3A_470 = vector.broadcast %jit3A_469 : f32 to vector<16xf32>
      %select_n3A_471 = arith.select %or3A_459, %broadcast_in_dim3A_470, %get3A_468 : vector<16xi1>, vector<16xf32>
      %add3A_472 = arith.addf %add3A_446, %select_n3A_471 : vector<16xf32>
      %eq3A_473 = arith.cmpi eq, %get3A_155, %get3A_227 : vector<16xi32>
      %eq3A_474 = arith.cmpi eq, %get3A_164, %get3A_227 : vector<16xi32>
      %or3A_475 = arith.ori %eq3A_473, %eq3A_474 : vector<16xi1>
      %eq3A_476 = arith.cmpi eq, %get3A_173, %get3A_227 : vector<16xi32>
      %or3A_477 = arith.ori %or3A_475, %eq3A_476 : vector<16xi1>
      %eq3A_478 = arith.cmpi eq, %get3A_182, %get3A_227 : vector<16xi32>
      %or3A_479 = arith.ori %or3A_477, %eq3A_478 : vector<16xi1>
      %eq3A_480 = arith.cmpi eq, %get3A_191, %get3A_227 : vector<16xi32>
      %or3A_481 = arith.ori %or3A_479, %eq3A_480 : vector<16xi1>
      %eq3A_482 = arith.cmpi eq, %get3A_200, %get3A_227 : vector<16xi32>
      %or3A_483 = arith.ori %or3A_481, %eq3A_482 : vector<16xi1>
      %eq3A_484 = arith.cmpi eq, %get3A_209, %get3A_227 : vector<16xi32>
      %or3A_485 = arith.ori %or3A_483, %eq3A_484 : vector<16xi1>
      %eq3A_486 = arith.cmpi eq, %get3A_218, %get3A_227 : vector<16xi32>
      %or3A_487 = arith.ori %or3A_485, %eq3A_486 : vector<16xi1>
      %mul3A_488 = arith.constant 16 : i32
      %mul3A_489 = arith.muli %scan3A_147, %mul3A_488 : i32
      %add3A_490 = arith.constant 0 : i32
      %add3A_491 = arith.addi %add3A_490, %mul3A_489 : i32
      %get3A_492 = arith.constant 2 : i32
      %get3A_493 = arith.index_cast %get3A_492 : i32 to index
      %get3A_494 = arith.index_cast %add3A_491 : i32 to index
      %get3A_495 = tpu.vector_load %arg6[%get3A_493, %get3A_494] {strides = array<i32>} : memref<5x128xf32, #tpu.memory_space<vmem>>, vector<1x16xf32>,
      %get3A_496 = vector.shape_cast %get3A_495 : vector<1x16xf32> to vector<16xf32>
      %jit3A_497 = arith.constant 0.000000e+00 : f32
      %broadcast_in_dim3A_498 = vector.broadcast %jit3A_497 : f32 to vector<16xf32>
      %select_n3A_499 = arith.select %or3A_487, %broadcast_in_dim3A_498, %get3A_496 : vector<16xi1>, vector<16xf32>
      %add3A_500 = arith.addf %add3A_472, %select_n3A_499 : vector<16xf32>
      %eq3A_501 = arith.cmpi eq, %get3A_155, %get3A_236 : vector<16xi32>
      %eq3A_502 = arith.cmpi eq, %get3A_164, %get3A_236 : vector<16xi32>
      %or3A_503 = arith.ori %eq3A_501, %eq3A_502 : vector<16xi1>
      %eq3A_504 = arith.cmpi eq, %get3A_173, %get3A_236 : vector<16xi32>
      %or3A_505 = arith.ori %or3A_503, %eq3A_504 : vector<16xi1>
      %eq3A_506 = arith.cmpi eq, %get3A_182, %get3A_236 : vector<16xi32>
      %or3A_507 = arith.ori %or3A_505, %eq3A_506 : vector<16xi1>
      %eq3A_508 = arith.cmpi eq, %get3A_191, %get3A_236 : vector<16xi32>
      %or3A_509 = arith.ori %or3A_507, %eq3A_508 : vector<16xi1>
      %eq3A_510 = arith.cmpi eq, %get3A_200, %get3A_236 : vector<16xi32>
      %or3A_511 = arith.ori %or3A_509, %eq3A_510 : vector<16xi1>
      %eq3A_512 = arith.cmpi eq, %get3A_209, %get3A_236 : vector<16xi32>
      %or3A_513 = arith.ori %or3A_511, %eq3A_512 : vector<16xi1>
      %eq3A_514 = arith.cmpi eq, %get3A_218, %get3A_236 : vector<16xi32>
      %or3A_515 = arith.ori %or3A_513, %eq3A_514 : vector<16xi1>
      %eq3A_516 = arith.cmpi eq, %get3A_227, %get3A_236 : vector<16xi32>
      %or3A_517 = arith.ori %or3A_515, %eq3A_516 : vector<16xi1>
      %mul3A_518 = arith.constant 16 : i32
      %mul3A_519 = arith.muli %scan3A_147, %mul3A_518 : i32
      %add3A_520 = arith.constant 32 : i32
      %add3A_521 = arith.addi %add3A_520, %mul3A_519 : i32
      %get3A_522 = arith.constant 2 : i32
      %get3A_523 = arith.index_cast %get3A_522 : i32 to index
      %get3A_524 = arith.index_cast %add3A_521 : i32 to index
      %get3A_525 = tpu.vector_load %arg6[%get3A_523, %get3A_524] {strides = array<i32>} : memref<5x128xf32, #tpu.memory_space<vmem>>, vector<1x16xf32>,
      %get3A_526 = vector.shape_cast %get3A_525 : vector<1x16xf32> to vector<16xf32>
      %jit3A_527 = arith.constant 0.000000e+00 : f32
      %broadcast_in_dim3A_528 = vector.broadcast %jit3A_527 : f32 to vector<16xf32>
      %select_n3A_529 = arith.select %or3A_517, %broadcast_in_dim3A_528, %get3A_526 : vector<16xi1>, vector<16xf32>
      %add3A_530 = arith.addf %add3A_500, %select_n3A_529 : vector<16xf32>
      %eq3A_531 = arith.cmpi eq, %get3A_155, %get3A_245 : vector<16xi32>
      %eq3A_532 = arith.cmpi eq, %get3A_164, %get3A_245 : vector<16xi32>
      %or3A_533 = arith.ori %eq3A_531, %eq3A_532 : vector<16xi1>
      %eq3A_534 = arith.cmpi eq, %get3A_173, %get3A_245 : vector<16xi32>
      %or3A_535 = arith.ori %or3A_533, %eq3A_534 : vector<16xi1>
      %eq3A_536 = arith.cmpi eq, %get3A_182, %get3A_245 : vector<16xi32>
      %or3A_537 = arith.ori %or3A_535, %eq3A_536 : vector<16xi1>
      %eq3A_538 = arith.cmpi eq, %get3A_191, %get3A_245 : vector<16xi32>
      %or3A_539 = arith.ori %or3A_537, %eq3A_538 : vector<16xi1>
      %eq3A_540 = arith.cmpi eq, %get3A_200, %get3A_245 : vector<16xi32>
      %or3A_541 = arith.ori %or3A_539, %eq3A_540 : vector<16xi1>
      %eq3A_542 = arith.cmpi eq, %get3A_209, %get3A_245 : vector<16xi32>
      %or3A_543 = arith.ori %or3A_541, %eq3A_542 : vector<16xi1>
      %eq3A_544 = arith.cmpi eq, %get3A_218, %get3A_245 : vector<16xi32>
      %or3A_545 = arith.ori %or3A_543, %eq3A_544 : vector<16xi1>
      %eq3A_546 = arith.cmpi eq, %get3A_227, %get3A_245 : vector<16xi32>
      %or3A_547 = arith.ori %or3A_545, %eq3A_546 : vector<16xi1>
      %eq3A_548 = arith.cmpi eq, %get3A_236, %get3A_245 : vector<16xi32>
      %or3A_549 = arith.ori %or3A_547, %eq3A_548 : vector<16xi1>
      %mul3A_550 = arith.constant 16 : i32
      %mul3A_551 = arith.muli %scan3A_147, %mul3A_550 : i32
      %add3A_552 = arith.constant 64 : i32
      %add3A_553 = arith.addi %add3A_552, %mul3A_551 : i32
      %get3A_554 = arith.constant 2 : i32
      %get3A_555 = arith.index_cast %get3A_554 : i32 to index
      %get3A_556 = arith.index_cast %add3A_553 : i32 to index
      %get3A_557 = tpu.vector_load %arg6[%get3A_555, %get3A_556] {strides = array<i32>} : memref<5x128xf32, #tpu.memory_space<vmem>>, vector<1x16xf32>,
      %get3A_558 = vector.shape_cast %get3A_557 : vector<1x16xf32> to vector<16xf32>
      %jit3A_559 = arith.constant 0.000000e+00 : f32
      %broadcast_in_dim3A_560 = vector.broadcast %jit3A_559 : f32 to vector<16xf32>
      %select_n3A_561 = arith.select %or3A_549, %broadcast_in_dim3A_560, %get3A_558 : vector<16xi1>, vector<16xf32>
      %add3A_562 = arith.addf %add3A_530, %select_n3A_561 : vector<16xf32>
      %eq3A_563 = arith.cmpi eq, %get3A_155, %get3A_254 : vector<16xi32>
      %eq3A_564 = arith.cmpi eq, %get3A_164, %get3A_254 : vector<16xi32>
      %or3A_565 = arith.ori %eq3A_563, %eq3A_564 : vector<16xi1>
      %eq3A_566 = arith.cmpi eq, %get3A_173, %get3A_254 : vector<16xi32>
      %or3A_567 = arith.ori %or3A_565, %eq3A_566 : vector<16xi1>
      %eq3A_568 = arith.cmpi eq, %get3A_182, %get3A_254 : vector<16xi32>
      %or3A_569 = arith.ori %or3A_567, %eq3A_568 : vector<16xi1>
      %eq3A_570 = arith.cmpi eq, %get3A_191, %get3A_254 : vector<16xi32>
      %or3A_571 = arith.ori %or3A_569, %eq3A_570 : vector<16xi1>
      %eq3A_572 = arith.cmpi eq, %get3A_200, %get3A_254 : vector<16xi32>
      %or3A_573 = arith.ori %or3A_571, %eq3A_572 : vector<16xi1>
      %eq3A_574 = arith.cmpi eq, %get3A_209, %get3A_254 : vector<16xi32>
      %or3A_575 = arith.ori %or3A_573, %eq3A_574 : vector<16xi1>
      %eq3A_576 = arith.cmpi eq, %get3A_218, %get3A_254 : vector<16xi32>
      %or3A_577 = arith.ori %or3A_575, %eq3A_576 : vector<16xi1>
      %eq3A_578 = arith.cmpi eq, %get3A_227, %get3A_254 : vector<16xi32>
      %or3A_579 = arith.ori %or3A_577, %eq3A_578 : vector<16xi1>
      %eq3A_580 = arith.cmpi eq, %get3A_236, %get3A_254 : vector<16xi32>
      %or3A_581 = arith.ori %or3A_579, %eq3A_580 : vector<16xi1>
      %eq3A_582 = arith.cmpi eq, %get3A_245, %get3A_254 : vector<16xi32>
      %or3A_583 = arith.ori %or3A_581, %eq3A_582 : vector<16xi1>
      %mul3A_584 = arith.constant 16 : i32
      %mul3A_585 = arith.muli %scan3A_147, %mul3A_584 : i32
      %add3A_586 = arith.constant 96 : i32
      %add3A_587 = arith.addi %add3A_586, %mul3A_585 : i32
      %get3A_588 = arith.constant 2 : i32
      %get3A_589 = arith.index_cast %get3A_588 : i32 to index
      %get3A_590 = arith.index_cast %add3A_587 : i32 to index
      %get3A_591 = tpu.vector_load %arg6[%get3A_589, %get3A_590] {strides = array<i32>} : memref<5x128xf32, #tpu.memory_space<vmem>>, vector<1x16xf32>,
      %get3A_592 = vector.shape_cast %get3A_591 : vector<1x16xf32> to vector<16xf32>
      %jit3A_593 = arith.constant 0.000000e+00 : f32
      %broadcast_in_dim3A_594 = vector.broadcast %jit3A_593 : f32 to vector<16xf32>
      %select_n3A_595 = arith.select %or3A_583, %broadcast_in_dim3A_594, %get3A_592 : vector<16xi1>, vector<16xf32>
      %add3A_596 = arith.addf %add3A_562, %select_n3A_595 : vector<16xf32>
      %eq3A_597 = arith.cmpi eq, %get3A_155, %get3A_263 : vector<16xi32>
      %eq3A_598 = arith.cmpi eq, %get3A_164, %get3A_263 : vector<16xi32>
      %or3A_599 = arith.ori %eq3A_597, %eq3A_598 : vector<16xi1>
      %eq3A_600 = arith.cmpi eq, %get3A_173, %get3A_263 : vector<16xi32>
      %or3A_601 = arith.ori %or3A_599, %eq3A_600 : vector<16xi1>
      %eq3A_602 = arith.cmpi eq, %get3A_182, %get3A_263 : vector<16xi32>
      %or3A_603 = arith.ori %or3A_601, %eq3A_602 : vector<16xi1>
      %eq3A_604 = arith.cmpi eq, %get3A_191, %get3A_263 : vector<16xi32>
      %or3A_605 = arith.ori %or3A_603, %eq3A_604 : vector<16xi1>
      %eq3A_606 = arith.cmpi eq, %get3A_200, %get3A_263 : vector<16xi32>
      %or3A_607 = arith.ori %or3A_605, %eq3A_606 : vector<16xi1>
      %eq3A_608 = arith.cmpi eq, %get3A_209, %get3A_263 : vector<16xi32>
      %or3A_609 = arith.ori %or3A_607, %eq3A_608 : vector<16xi1>
      %eq3A_610 = arith.cmpi eq, %get3A_218, %get3A_263 : vector<16xi32>
      %or3A_611 = arith.ori %or3A_609, %eq3A_610 : vector<16xi1>
      %eq3A_612 = arith.cmpi eq, %get3A_227, %get3A_263 : vector<16xi32>
      %or3A_613 = arith.ori %or3A_611, %eq3A_612 : vector<16xi1>
      %eq3A_614 = arith.cmpi eq, %get3A_236, %get3A_263 : vector<16xi32>
      %or3A_615 = arith.ori %or3A_613, %eq3A_614 : vector<16xi1>
      %eq3A_616 = arith.cmpi eq, %get3A_245, %get3A_263 : vector<16xi32>
      %or3A_617 = arith.ori %or3A_615, %eq3A_616 : vector<16xi1>
      %eq3A_618 = arith.cmpi eq, %get3A_254, %get3A_263 : vector<16xi32>
      %or3A_619 = arith.ori %or3A_617, %eq3A_618 : vector<16xi1>
      %mul3A_620 = arith.constant 16 : i32
      %mul3A_621 = arith.muli %scan3A_147, %mul3A_620 : i32
      %add3A_622 = arith.constant 0 : i32
      %add3A_623 = arith.addi %add3A_622, %mul3A_621 : i32
      %get3A_624 = arith.constant 3 : i32
      %get3A_625 = arith.index_cast %get3A_624 : i32 to index
      %get3A_626 = arith.index_cast %add3A_623 : i32 to index
      %get3A_627 = tpu.vector_load %arg6[%get3A_625, %get3A_626] {strides = array<i32>} : memref<5x128xf32, #tpu.memory_space<vmem>>, vector<1x16xf32>,
      %get3A_628 = vector.shape_cast %get3A_627 : vector<1x16xf32> to vector<16xf32>
      %jit3A_629 = arith.constant 0.000000e+00 : f32
      %broadcast_in_dim3A_630 = vector.broadcast %jit3A_629 : f32 to vector<16xf32>
      %select_n3A_631 = arith.select %or3A_619, %broadcast_in_dim3A_630, %get3A_628 : vector<16xi1>, vector<16xf32>
      %add3A_632 = arith.addf %add3A_596, %select_n3A_631 : vector<16xf32>
      %eq3A_633 = arith.cmpi eq, %get3A_155, %get3A_272 : vector<16xi32>
      %eq3A_634 = arith.cmpi eq, %get3A_164, %get3A_272 : vector<16xi32>
      %or3A_635 = arith.ori %eq3A_633, %eq3A_634 : vector<16xi1>
      %eq3A_636 = arith.cmpi eq, %get3A_173, %get3A_272 : vector<16xi32>
      %or3A_637 = arith.ori %or3A_635, %eq3A_636 : vector<16xi1>
      %eq3A_638 = arith.cmpi eq, %get3A_182, %get3A_272 : vector<16xi32>
      %or3A_639 = arith.ori %or3A_637, %eq3A_638 : vector<16xi1>
      %eq3A_640 = arith.cmpi eq, %get3A_191, %get3A_272 : vector<16xi32>
      %or3A_641 = arith.ori %or3A_639, %eq3A_640 : vector<16xi1>
      %eq3A_642 = arith.cmpi eq, %get3A_200, %get3A_272 : vector<16xi32>
      %or3A_643 = arith.ori %or3A_641, %eq3A_642 : vector<16xi1>
      %eq3A_644 = arith.cmpi eq, %get3A_209, %get3A_272 : vector<16xi32>
      %or3A_645 = arith.ori %or3A_643, %eq3A_644 : vector<16xi1>
      %eq3A_646 = arith.cmpi eq, %get3A_218, %get3A_272 : vector<16xi32>
      %or3A_647 = arith.ori %or3A_645, %eq3A_646 : vector<16xi1>
      %eq3A_648 = arith.cmpi eq, %get3A_227, %get3A_272 : vector<16xi32>
      %or3A_649 = arith.ori %or3A_647, %eq3A_648 : vector<16xi1>
      %eq3A_650 = arith.cmpi eq, %get3A_236, %get3A_272 : vector<16xi32>
      %or3A_651 = arith.ori %or3A_649, %eq3A_650 : vector<16xi1>
      %eq3A_652 = arith.cmpi eq, %get3A_245, %get3A_272 : vector<16xi32>
      %or3A_653 = arith.ori %or3A_651, %eq3A_652 : vector<16xi1>
      %eq3A_654 = arith.cmpi eq, %get3A_254, %get3A_272 : vector<16xi32>
      %or3A_655 = arith.ori %or3A_653, %eq3A_654 : vector<16xi1>
      %eq3A_656 = arith.cmpi eq, %get3A_263, %get3A_272 : vector<16xi32>
      %or3A_657 = arith.ori %or3A_655, %eq3A_656 : vector<16xi1>
      %mul3A_658 = arith.constant 16 : i32
      %mul3A_659 = arith.muli %scan3A_147, %mul3A_658 : i32
      %add3A_660 = arith.constant 32 : i32
      %add3A_661 = arith.addi %add3A_660, %mul3A_659 : i32
      %get3A_662 = arith.constant 3 : i32
      %get3A_663 = arith.index_cast %get3A_662 : i32 to index
      %get3A_664 = arith.index_cast %add3A_661 : i32 to index
      %get3A_665 = tpu.vector_load %arg6[%get3A_663, %get3A_664] {strides = array<i32>} : memref<5x128xf32, #tpu.memory_space<vmem>>, vector<1x16xf32>,
      %get3A_666 = vector.shape_cast %get3A_665 : vector<1x16xf32> to vector<16xf32>
      %jit3A_667 = arith.constant 0.000000e+00 : f32
      %broadcast_in_dim3A_668 = vector.broadcast %jit3A_667 : f32 to vector<16xf32>
      %select_n3A_669 = arith.select %or3A_657, %broadcast_in_dim3A_668, %get3A_666 : vector<16xi1>, vector<16xf32>
      %add3A_670 = arith.addf %add3A_632, %select_n3A_669 : vector<16xf32>
      %eq3A_671 = arith.cmpi eq, %get3A_155, %get3A_281 : vector<16xi32>
      %eq3A_672 = arith.cmpi eq, %get3A_164, %get3A_281 : vector<16xi32>
      %or3A_673 = arith.ori %eq3A_671, %eq3A_672 : vector<16xi1>
      %eq3A_674 = arith.cmpi eq, %get3A_173, %get3A_281 : vector<16xi32>
      %or3A_675 = arith.ori %or3A_673, %eq3A_674 : vector<16xi1>
      %eq3A_676 = arith.cmpi eq, %get3A_182, %get3A_281 : vector<16xi32>
      %or3A_677 = arith.ori %or3A_675, %eq3A_676 : vector<16xi1>
      %eq3A_678 = arith.cmpi eq, %get3A_191, %get3A_281 : vector<16xi32>
      %or3A_679 = arith.ori %or3A_677, %eq3A_678 : vector<16xi1>
      %eq3A_680 = arith.cmpi eq, %get3A_200, %get3A_281 : vector<16xi32>
      %or3A_681 = arith.ori %or3A_679, %eq3A_680 : vector<16xi1>
      %eq3A_682 = arith.cmpi eq, %get3A_209, %get3A_281 : vector<16xi32>
      %or3A_683 = arith.ori %or3A_681, %eq3A_682 : vector<16xi1>
      %eq3A_684 = arith.cmpi eq, %get3A_218, %get3A_281 : vector<16xi32>
      %or3A_685 = arith.ori %or3A_683, %eq3A_684 : vector<16xi1>
      %eq3A_686 = arith.cmpi eq, %get3A_227, %get3A_281 : vector<16xi32>
      %or3A_687 = arith.ori %or3A_685, %eq3A_686 : vector<16xi1>
      %eq3A_688 = arith.cmpi eq, %get3A_236, %get3A_281 : vector<16xi32>
      %or3A_689 = arith.ori %or3A_687, %eq3A_688 : vector<16xi1>
      %eq3A_690 = arith.cmpi eq, %get3A_245, %get3A_281 : vector<16xi32>
      %or3A_691 = arith.ori %or3A_689, %eq3A_690 : vector<16xi1>
      %eq3A_692 = arith.cmpi eq, %get3A_254, %get3A_281 : vector<16xi32>
      %or3A_693 = arith.ori %or3A_691, %eq3A_692 : vector<16xi1>
      %eq3A_694 = arith.cmpi eq, %get3A_263, %get3A_281 : vector<16xi32>
      %or3A_695 = arith.ori %or3A_693, %eq3A_694 : vector<16xi1>
      %eq3A_696 = arith.cmpi eq, %get3A_272, %get3A_281 : vector<16xi32>
      %or3A_697 = arith.ori %or3A_695, %eq3A_696 : vector<16xi1>
      %mul3A_698 = arith.constant 16 : i32
      %mul3A_699 = arith.muli %scan3A_147, %mul3A_698 : i32
      %add3A_700 = arith.constant 64 : i32
      %add3A_701 = arith.addi %add3A_700, %mul3A_699 : i32
      %get3A_702 = arith.constant 3 : i32
      %get3A_703 = arith.index_cast %get3A_702 : i32 to index
      %get3A_704 = arith.index_cast %add3A_701 : i32 to index
      %get3A_705 = tpu.vector_load %arg6[%get3A_703, %get3A_704] {strides = array<i32>} : memref<5x128xf32, #tpu.memory_space<vmem>>, vector<1x16xf32>,
      %get3A_706 = vector.shape_cast %get3A_705 : vector<1x16xf32> to vector<16xf32>
      %jit3A_707 = arith.constant 0.000000e+00 : f32
      %broadcast_in_dim3A_708 = vector.broadcast %jit3A_707 : f32 to vector<16xf32>
      %select_n3A_709 = arith.select %or3A_697, %broadcast_in_dim3A_708, %get3A_706 : vector<16xi1>, vector<16xf32>
      %add3A_710 = arith.addf %add3A_670, %select_n3A_709 : vector<16xf32>
      %eq3A_711 = arith.cmpi eq, %get3A_155, %get3A_290 : vector<16xi32>
      %eq3A_712 = arith.cmpi eq, %get3A_164, %get3A_290 : vector<16xi32>
      %or3A_713 = arith.ori %eq3A_711, %eq3A_712 : vector<16xi1>
      %eq3A_714 = arith.cmpi eq, %get3A_173, %get3A_290 : vector<16xi32>
      %or3A_715 = arith.ori %or3A_713, %eq3A_714 : vector<16xi1>
      %eq3A_716 = arith.cmpi eq, %get3A_182, %get3A_290 : vector<16xi32>
      %or3A_717 = arith.ori %or3A_715, %eq3A_716 : vector<16xi1>
      %eq3A_718 = arith.cmpi eq, %get3A_191, %get3A_290 : vector<16xi32>
      %or3A_719 = arith.ori %or3A_717, %eq3A_718 : vector<16xi1>
      %eq3A_720 = arith.cmpi eq, %get3A_200, %get3A_290 : vector<16xi32>
      %or3A_721 = arith.ori %or3A_719, %eq3A_720 : vector<16xi1>
      %eq3A_722 = arith.cmpi eq, %get3A_209, %get3A_290 : vector<16xi32>
      %or3A_723 = arith.ori %or3A_721, %eq3A_722 : vector<16xi1>
      %eq3A_724 = arith.cmpi eq, %get3A_218, %get3A_290 : vector<16xi32>
      %or3A_725 = arith.ori %or3A_723, %eq3A_724 : vector<16xi1>
      %eq3A_726 = arith.cmpi eq, %get3A_227, %get3A_290 : vector<16xi32>
      %or3A_727 = arith.ori %or3A_725, %eq3A_726 : vector<16xi1>
      %eq3A_728 = arith.cmpi eq, %get3A_236, %get3A_290 : vector<16xi32>
      %or3A_729 = arith.ori %or3A_727, %eq3A_728 : vector<16xi1>
      %eq3A_730 = arith.cmpi eq, %get3A_245, %get3A_290 : vector<16xi32>
      %or3A_731 = arith.ori %or3A_729, %eq3A_730 : vector<16xi1>
      %eq3A_732 = arith.cmpi eq, %get3A_254, %get3A_290 : vector<16xi32>
      %or3A_733 = arith.ori %or3A_731, %eq3A_732 : vector<16xi1>
      %eq3A_734 = arith.cmpi eq, %get3A_263, %get3A_290 : vector<16xi32>
      %or3A_735 = arith.ori %or3A_733, %eq3A_734 : vector<16xi1>
      %eq3A_736 = arith.cmpi eq, %get3A_272, %get3A_290 : vector<16xi32>
      %or3A_737 = arith.ori %or3A_735, %eq3A_736 : vector<16xi1>
      %eq3A_738 = arith.cmpi eq, %get3A_281, %get3A_290 : vector<16xi32>
      %or3A_739 = arith.ori %or3A_737, %eq3A_738 : vector<16xi1>
      %mul3A_740 = arith.constant 16 : i32
      %mul3A_741 = arith.muli %scan3A_147, %mul3A_740 : i32
      %add3A_742 = arith.constant 96 : i32
      %add3A_743 = arith.addi %add3A_742, %mul3A_741 : i32
      %get3A_744 = arith.constant 3 : i32
      %get3A_745 = arith.index_cast %get3A_744 : i32 to index
      %get3A_746 = arith.index_cast %add3A_743 : i32 to index
      %get3A_747 = tpu.vector_load %arg6[%get3A_745, %get3A_746] {strides = array<i32>} : memref<5x128xf32, #tpu.memory_space<vmem>>, vector<1x16xf32>,
      %get3A_748 = vector.shape_cast %get3A_747 : vector<1x16xf32> to vector<16xf32>
      %jit3A_749 = arith.constant 0.000000e+00 : f32
      %broadcast_in_dim3A_750 = vector.broadcast %jit3A_749 : f32 to vector<16xf32>
      %select_n3A_751 = arith.select %or3A_739, %broadcast_in_dim3A_750, %get3A_748 : vector<16xi1>, vector<16xf32>
      %add3A_752 = arith.addf %add3A_710, %select_n3A_751 : vector<16xf32>
      %eq3A_753 = arith.cmpi eq, %get3A_155, %get3A_299 : vector<16xi32>
      %eq3A_754 = arith.cmpi eq, %get3A_164, %get3A_299 : vector<16xi32>
      %or3A_755 = arith.ori %eq3A_753, %eq3A_754 : vector<16xi1>
      %eq3A_756 = arith.cmpi eq, %get3A_173, %get3A_299 : vector<16xi32>
      %or3A_757 = arith.ori %or3A_755, %eq3A_756 : vector<16xi1>
      %eq3A_758 = arith.cmpi eq, %get3A_182, %get3A_299 : vector<16xi32>
      %or3A_759 = arith.ori %or3A_757, %eq3A_758 : vector<16xi1>
      %eq3A_760 = arith.cmpi eq, %get3A_191, %get3A_299 : vector<16xi32>
      %or3A_761 = arith.ori %or3A_759, %eq3A_760 : vector<16xi1>
      %eq3A_762 = arith.cmpi eq, %get3A_200, %get3A_299 : vector<16xi32>
      %or3A_763 = arith.ori %or3A_761, %eq3A_762 : vector<16xi1>
      %eq3A_764 = arith.cmpi eq, %get3A_209, %get3A_299 : vector<16xi32>
      %or3A_765 = arith.ori %or3A_763, %eq3A_764 : vector<16xi1>
      %eq3A_766 = arith.cmpi eq, %get3A_218, %get3A_299 : vector<16xi32>
      %or3A_767 = arith.ori %or3A_765, %eq3A_766 : vector<16xi1>
      %eq3A_768 = arith.cmpi eq, %get3A_227, %get3A_299 : vector<16xi32>
      %or3A_769 = arith.ori %or3A_767, %eq3A_768 : vector<16xi1>
      %eq3A_770 = arith.cmpi eq, %get3A_236, %get3A_299 : vector<16xi32>
      %or3A_771 = arith.ori %or3A_769, %eq3A_770 : vector<16xi1>
      %eq3A_772 = arith.cmpi eq, %get3A_245, %get3A_299 : vector<16xi32>
      %or3A_773 = arith.ori %or3A_771, %eq3A_772 : vector<16xi1>
      %eq3A_774 = arith.cmpi eq, %get3A_254, %get3A_299 : vector<16xi32>
      %or3A_775 = arith.ori %or3A_773, %eq3A_774 : vector<16xi1>
      %eq3A_776 = arith.cmpi eq, %get3A_263, %get3A_299 : vector<16xi32>
      %or3A_777 = arith.ori %or3A_775, %eq3A_776 : vector<16xi1>
      %eq3A_778 = arith.cmpi eq, %get3A_272, %get3A_299 : vector<16xi32>
      %or3A_779 = arith.ori %or3A_777, %eq3A_778 : vector<16xi1>
      %eq3A_780 = arith.cmpi eq, %get3A_281, %get3A_299 : vector<16xi32>
      %or3A_781 = arith.ori %or3A_779, %eq3A_780 : vector<16xi1>
      %eq3A_782 = arith.cmpi eq, %get3A_290, %get3A_299 : vector<16xi32>
      %or3A_783 = arith.ori %or3A_781, %eq3A_782 : vector<16xi1>
      %mul3A_784 = arith.constant 16 : i32
      %mul3A_785 = arith.muli %scan3A_147, %mul3A_784 : i32
      %add3A_786 = arith.constant 0 : i32
      %add3A_787 = arith.addi %add3A_786, %mul3A_785 : i32
      %get3A_788 = arith.constant 4 : i32
      %get3A_789 = arith.index_cast %get3A_788 : i32 to index
      %get3A_790 = arith.index_cast %add3A_787 : i32 to index
      %get3A_791 = tpu.vector_load %arg6[%get3A_789, %get3A_790] {strides = array<i32>} : memref<5x128xf32, #tpu.memory_space<vmem>>, vector<1x16xf32>,
      %get3A_792 = vector.shape_cast %get3A_791 : vector<1x16xf32> to vector<16xf32>
      %jit3A_793 = arith.constant 0.000000e+00 : f32
      %broadcast_in_dim3A_794 = vector.broadcast %jit3A_793 : f32 to vector<16xf32>
      %select_n3A_795 = arith.select %or3A_783, %broadcast_in_dim3A_794, %get3A_792 : vector<16xi1>, vector<16xf32>
      %add3A_796 = arith.addf %add3A_752, %select_n3A_795 : vector<16xf32>
      %eq3A_797 = arith.cmpi eq, %get3A_155, %get3A_308 : vector<16xi32>
      %eq3A_798 = arith.cmpi eq, %get3A_164, %get3A_308 : vector<16xi32>
      %or3A_799 = arith.ori %eq3A_797, %eq3A_798 : vector<16xi1>
      %eq3A_800 = arith.cmpi eq, %get3A_173, %get3A_308 : vector<16xi32>
      %or3A_801 = arith.ori %or3A_799, %eq3A_800 : vector<16xi1>
      %eq3A_802 = arith.cmpi eq, %get3A_182, %get3A_308 : vector<16xi32>
      %or3A_803 = arith.ori %or3A_801, %eq3A_802 : vector<16xi1>
      %eq3A_804 = arith.cmpi eq, %get3A_191, %get3A_308 : vector<16xi32>
      %or3A_805 = arith.ori %or3A_803, %eq3A_804 : vector<16xi1>
      %eq3A_806 = arith.cmpi eq, %get3A_200, %get3A_308 : vector<16xi32>
      %or3A_807 = arith.ori %or3A_805, %eq3A_806 : vector<16xi1>
      %eq3A_808 = arith.cmpi eq, %get3A_209, %get3A_308 : vector<16xi32>
      %or3A_809 = arith.ori %or3A_807, %eq3A_808 : vector<16xi1>
      %eq3A_810 = arith.cmpi eq, %get3A_218, %get3A_308 : vector<16xi32>
      %or3A_811 = arith.ori %or3A_809, %eq3A_810 : vector<16xi1>
      %eq3A_812 = arith.cmpi eq, %get3A_227, %get3A_308 : vector<16xi32>
      %or3A_813 = arith.ori %or3A_811, %eq3A_812 : vector<16xi1>
      %eq3A_814 = arith.cmpi eq, %get3A_236, %get3A_308 : vector<16xi32>
      %or3A_815 = arith.ori %or3A_813, %eq3A_814 : vector<16xi1>
      %eq3A_816 = arith.cmpi eq, %get3A_245, %get3A_308 : vector<16xi32>
      %or3A_817 = arith.ori %or3A_815, %eq3A_816 : vector<16xi1>
      %eq3A_818 = arith.cmpi eq, %get3A_254, %get3A_308 : vector<16xi32>
      %or3A_819 = arith.ori %or3A_817, %eq3A_818 : vector<16xi1>
      %eq3A_820 = arith.cmpi eq, %get3A_263, %get3A_308 : vector<16xi32>
      %or3A_821 = arith.ori %or3A_819, %eq3A_820 : vector<16xi1>
      %eq3A_822 = arith.cmpi eq, %get3A_272, %get3A_308 : vector<16xi32>
      %or3A_823 = arith.ori %or3A_821, %eq3A_822 : vector<16xi1>
      %eq3A_824 = arith.cmpi eq, %get3A_281, %get3A_308 : vector<16xi32>
      %or3A_825 = arith.ori %or3A_823, %eq3A_824 : vector<16xi1>
      %eq3A_826 = arith.cmpi eq, %get3A_290, %get3A_308 : vector<16xi32>
      %or3A_827 = arith.ori %or3A_825, %eq3A_826 : vector<16xi1>
      %eq3A_828 = arith.cmpi eq, %get3A_299, %get3A_308 : vector<16xi32>
      %or3A_829 = arith.ori %or3A_827, %eq3A_828 : vector<16xi1>
      %mul3A_830 = arith.constant 16 : i32
      %mul3A_831 = arith.muli %scan3A_147, %mul3A_830 : i32
      %add3A_832 = arith.constant 32 : i32
      %add3A_833 = arith.addi %add3A_832, %mul3A_831 : i32
      %get3A_834 = arith.constant 4 : i32
      %get3A_835 = arith.index_cast %get3A_834 : i32 to index
      %get3A_836 = arith.index_cast %add3A_833 : i32 to index
      %get3A_837 = tpu.vector_load %arg6[%get3A_835, %get3A_836] {strides = array<i32>} : memref<5x128xf32, #tpu.memory_space<vmem>>, vector<1x16xf32>,
      %get3A_838 = vector.shape_cast %get3A_837 : vector<1x16xf32> to vector<16xf32>
      %jit3A_839 = arith.constant 0.000000e+00 : f32
      %broadcast_in_dim3A_840 = vector.broadcast %jit3A_839 : f32 to vector<16xf32>
      %select_n3A_841 = arith.select %or3A_829, %broadcast_in_dim3A_840, %get3A_838 : vector<16xi1>, vector<16xf32>
      %add3A_842 = arith.addf %add3A_796, %select_n3A_841 : vector<16xf32>
      %eq3A_843 = arith.cmpi eq, %get3A_155, %get3A_317 : vector<16xi32>
      %eq3A_844 = arith.cmpi eq, %get3A_164, %get3A_317 : vector<16xi32>
      %or3A_845 = arith.ori %eq3A_843, %eq3A_844 : vector<16xi1>
      %eq3A_846 = arith.cmpi eq, %get3A_173, %get3A_317 : vector<16xi32>
      %or3A_847 = arith.ori %or3A_845, %eq3A_846 : vector<16xi1>
      %eq3A_848 = arith.cmpi eq, %get3A_182, %get3A_317 : vector<16xi32>
      %or3A_849 = arith.ori %or3A_847, %eq3A_848 : vector<16xi1>
      %eq3A_850 = arith.cmpi eq, %get3A_191, %get3A_317 : vector<16xi32>
      %or3A_851 = arith.ori %or3A_849, %eq3A_850 : vector<16xi1>
      %eq3A_852 = arith.cmpi eq, %get3A_200, %get3A_317 : vector<16xi32>
      %or3A_853 = arith.ori %or3A_851, %eq3A_852 : vector<16xi1>
      %eq3A_854 = arith.cmpi eq, %get3A_209, %get3A_317 : vector<16xi32>
      %or3A_855 = arith.ori %or3A_853, %eq3A_854 : vector<16xi1>
      %eq3A_856 = arith.cmpi eq, %get3A_218, %get3A_317 : vector<16xi32>
      %or3A_857 = arith.ori %or3A_855, %eq3A_856 : vector<16xi1>
      %eq3A_858 = arith.cmpi eq, %get3A_227, %get3A_317 : vector<16xi32>
      %or3A_859 = arith.ori %or3A_857, %eq3A_858 : vector<16xi1>
      %eq3A_860 = arith.cmpi eq, %get3A_236, %get3A_317 : vector<16xi32>
      %or3A_861 = arith.ori %or3A_859, %eq3A_860 : vector<16xi1>
      %eq3A_862 = arith.cmpi eq, %get3A_245, %get3A_317 : vector<16xi32>
      %or3A_863 = arith.ori %or3A_861, %eq3A_862 : vector<16xi1>
      %eq3A_864 = arith.cmpi eq, %get3A_254, %get3A_317 : vector<16xi32>
      %or3A_865 = arith.ori %or3A_863, %eq3A_864 : vector<16xi1>
      %eq3A_866 = arith.cmpi eq, %get3A_263, %get3A_317 : vector<16xi32>
      %or3A_867 = arith.ori %or3A_865, %eq3A_866 : vector<16xi1>
      %eq3A_868 = arith.cmpi eq, %get3A_272, %get3A_317 : vector<16xi32>
      %or3A_869 = arith.ori %or3A_867, %eq3A_868 : vector<16xi1>
      %eq3A_870 = arith.cmpi eq, %get3A_281, %get3A_317 : vector<16xi32>
      %or3A_871 = arith.ori %or3A_869, %eq3A_870 : vector<16xi1>
      %eq3A_872 = arith.cmpi eq, %get3A_290, %get3A_317 : vector<16xi32>
      %or3A_873 = arith.ori %or3A_871, %eq3A_872 : vector<16xi1>
      %eq3A_874 = arith.cmpi eq, %get3A_299, %get3A_317 : vector<16xi32>
      %or3A_875 = arith.ori %or3A_873, %eq3A_874 : vector<16xi1>
      %eq3A_876 = arith.cmpi eq, %get3A_308, %get3A_317 : vector<16xi32>
      %or3A_877 = arith.ori %or3A_875, %eq3A_876 : vector<16xi1>
      %mul3A_878 = arith.constant 16 : i32
      %mul3A_879 = arith.muli %scan3A_147, %mul3A_878 : i32
      %add3A_880 = arith.constant 64 : i32
      %add3A_881 = arith.addi %add3A_880, %mul3A_879 : i32
      %get3A_882 = arith.constant 4 : i32
      %get3A_883 = arith.index_cast %get3A_882 : i32 to index
      %get3A_884 = arith.index_cast %add3A_881 : i32 to index
      %get3A_885 = tpu.vector_load %arg6[%get3A_883, %get3A_884] {strides = array<i32>} : memref<5x128xf32, #tpu.memory_space<vmem>>, vector<1x16xf32>,
      %get3A_886 = vector.shape_cast %get3A_885 : vector<1x16xf32> to vector<16xf32>
      %jit3A_887 = arith.constant 0.000000e+00 : f32
      %broadcast_in_dim3A_888 = vector.broadcast %jit3A_887 : f32 to vector<16xf32>
      %select_n3A_889 = arith.select %or3A_877, %broadcast_in_dim3A_888, %get3A_886 : vector<16xi1>, vector<16xf32>
      %add3A_890 = arith.addf %add3A_842, %select_n3A_889 : vector<16xf32>
      %eq3A_891 = arith.cmpi eq, %get3A_155, %get3A_326 : vector<16xi32>
      %eq3A_892 = arith.cmpi eq, %get3A_164, %get3A_326 : vector<16xi32>
      %or3A_893 = arith.ori %eq3A_891, %eq3A_892 : vector<16xi1>
      %eq3A_894 = arith.cmpi eq, %get3A_173, %get3A_326 : vector<16xi32>
      %or3A_895 = arith.ori %or3A_893, %eq3A_894 : vector<16xi1>
      %eq3A_896 = arith.cmpi eq, %get3A_182, %get3A_326 : vector<16xi32>
      %or3A_897 = arith.ori %or3A_895, %eq3A_896 : vector<16xi1>
      %eq3A_898 = arith.cmpi eq, %get3A_191, %get3A_326 : vector<16xi32>
      %or3A_899 = arith.ori %or3A_897, %eq3A_898 : vector<16xi1>
      %eq3A_900 = arith.cmpi eq, %get3A_200, %get3A_326 : vector<16xi32>
      %or3A_901 = arith.ori %or3A_899, %eq3A_900 : vector<16xi1>
      %eq3A_902 = arith.cmpi eq, %get3A_209, %get3A_326 : vector<16xi32>
      %or3A_903 = arith.ori %or3A_901, %eq3A_902 : vector<16xi1>
      %eq3A_904 = arith.cmpi eq, %get3A_218, %get3A_326 : vector<16xi32>
      %or3A_905 = arith.ori %or3A_903, %eq3A_904 : vector<16xi1>
      %eq3A_906 = arith.cmpi eq, %get3A_227, %get3A_326 : vector<16xi32>
      %or3A_907 = arith.ori %or3A_905, %eq3A_906 : vector<16xi1>
      %eq3A_908 = arith.cmpi eq, %get3A_236, %get3A_326 : vector<16xi32>
      %or3A_909 = arith.ori %or3A_907, %eq3A_908 : vector<16xi1>
      %eq3A_910 = arith.cmpi eq, %get3A_245, %get3A_326 : vector<16xi32>
      %or3A_911 = arith.ori %or3A_909, %eq3A_910 : vector<16xi1>
      %eq3A_912 = arith.cmpi eq, %get3A_254, %get3A_326 : vector<16xi32>
      %or3A_913 = arith.ori %or3A_911, %eq3A_912 : vector<16xi1>
      %eq3A_914 = arith.cmpi eq, %get3A_263, %get3A_326 : vector<16xi32>
      %or3A_915 = arith.ori %or3A_913, %eq3A_914 : vector<16xi1>
      %eq3A_916 = arith.cmpi eq, %get3A_272, %get3A_326 : vector<16xi32>
      %or3A_917 = arith.ori %or3A_915, %eq3A_916 : vector<16xi1>
      %eq3A_918 = arith.cmpi eq, %get3A_281, %get3A_326 : vector<16xi32>
      %or3A_919 = arith.ori %or3A_917, %eq3A_918 : vector<16xi1>
      %eq3A_920 = arith.cmpi eq, %get3A_290, %get3A_326 : vector<16xi32>
      %or3A_921 = arith.ori %or3A_919, %eq3A_920 : vector<16xi1>
      %eq3A_922 = arith.cmpi eq, %get3A_299, %get3A_326 : vector<16xi32>
      %or3A_923 = arith.ori %or3A_921, %eq3A_922 : vector<16xi1>
      %eq3A_924 = arith.cmpi eq, %get3A_308, %get3A_326 : vector<16xi32>
      %or3A_925 = arith.ori %or3A_923, %eq3A_924 : vector<16xi1>
      %eq3A_926 = arith.cmpi eq, %get3A_317, %get3A_326 : vector<16xi32>
      %or3A_927 = arith.ori %or3A_925, %eq3A_926 : vector<16xi1>
      %mul3A_928 = arith.constant 16 : i32
      %mul3A_929 = arith.muli %scan3A_147, %mul3A_928 : i32
      %add3A_930 = arith.constant 96 : i32
      %add3A_931 = arith.addi %add3A_930, %mul3A_929 : i32
      %get3A_932 = arith.constant 4 : i32
      %get3A_933 = arith.index_cast %get3A_932 : i32 to index
      %get3A_934 = arith.index_cast %add3A_931 : i32 to index
      %get3A_935 = tpu.vector_load %arg6[%get3A_933, %get3A_934] {strides = array<i32>} : memref<5x128xf32, #tpu.memory_space<vmem>>, vector<1x16xf32>,
      %get3A_936 = vector.shape_cast %get3A_935 : vector<1x16xf32> to vector<16xf32>
      %jit3A_937 = arith.constant 0.000000e+00 : f32
      %broadcast_in_dim3A_938 = vector.broadcast %jit3A_937 : f32 to vector<16xf32>
      %select_n3A_939 = arith.select %or3A_927, %broadcast_in_dim3A_938, %get3A_936 : vector<16xi1>, vector<16xf32>
      %add3A_940 = arith.addf %add3A_890, %select_n3A_939 : vector<16xf32>
      %mul3A_941 = arith.constant 16 : i32
      %mul3A_942 = arith.muli %scan3A_147, %mul3A_941 : i32
      %swap3A = arith.index_cast %mul3A_942 : i32 to index
      %swap3A_943 = tpu.vector_load %arg7[%swap3A] {strides = array<i32>} : memref<32xf32, #tpu.memory_space<vmem>>, vector<16xf32>,
      %swap3A_944 = vector.shape_cast %swap3A_943 : vector<16xf32> to vector<16xf32>
      %swap3A_945 = vector.shape_cast %add3A_940 : vector<16xf32> to vector<16xf32>
      tpu.vector_store %arg7[%swap3A], %swap3A_945 {strides = array<i32>} : memref<32xf32, #tpu.memory_space<vmem>>, vector<16xf32>,
    }
    %scan3A_144 = arith.constant 2 : i32
    %mul3A_145 = arith.constant 32 : i32
    %mul3A_146 = arith.muli %add3A, %mul3A_145 : i32
    "tpu.region"() ({
      %run_scoped3A = tpu.sem_alloc : memref<!tpu.dma_semaphore, #tpu.memory_space<semaphore_mem>>
      %dma_start3A_147 = tpu.memref_slice %arg4[%mul3A_146] : memref<1024xf32, #tpu.memory_space<hbm>> -> memref<32xf32, #tpu.memory_space<hbm>>
      %dma_start3A_148 = tpu.memref_slice %arg4[%mul3A_146] : memref<1024xf32, #tpu.memory_space<hbm>> -> memref<32xf32, #tpu.memory_space<hbm>>
      tpu.enqueue_dma source(%arg7 : memref<32xf32, #tpu.memory_space<vmem>>) target(%dma_start3A_148 : memref<32xf32, #tpu.memory_space<hbm>>) target_semaphore(%run_scoped3A : memref<!tpu.dma_semaphore, #tpu.memory_space<semaphore_mem>>)
      %dma_wait3A_149 = tpu.memref_slice %arg4[%mul3A_146] : memref<1024xf32, #tpu.memory_space<hbm>> -> memref<32xf32, #tpu.memory_space<hbm>>
      %dma_wait3A_150 = tpu.memref_slice %arg4[%mul3A_146] : memref<1024xf32, #tpu.memory_space<hbm>> -> memref<32xf32, #tpu.memory_space<hbm>>
      tpu.wait_dma2 semaphore(%run_scoped3A : memref<!tpu.dma_semaphore, #tpu.memory_space<semaphore_mem>>) src(%arg7 : memref<32xf32, #tpu.memory_space<vmem>>) dst(%dma_wait3A_150 : memref<32xf32, #tpu.memory_space<hbm>>)
      tpu.yield
    }) : () -> ()
    return
  }
}

</mosaic_0001>

<sc_bundles>
// kernel: _bow_forward.3.cloned.1.call-start
scs
__scs_entry_jumppad:
0x0: {  	(pc) =	sbr.rel $0x88, $3  }
0x1: {  	(tag) =	ssettag $0x0;
	lr =	simm.s32 $0x1  }
0x2: {  	[smem:$0x3F9E] =	sst lr;
	_ =	strace $0xD0000000  }
0x3: {  	_ = 	snop  }
0x4: {  	_ = 	snop  }
0x5: {  	_ = 	snop  }
0x6: {  	_ = 	snop  }
0x7: {  	_ = 	snop  }
__scs_overlays_trampoline_lowered:
0x8: {  	[smem:$0x3FAD] =	sst s0  }
0x9: {  	[smem:$0x3FAE] =	sst s1  }
0xa: {  	[smem:$0x3FAF] =	sst s2  }
0xb: {  	[smem:$0x3FB0] =	sst s3  }
0xc: {  	[smem:$0x3FB1] =	sst s4  }
0xd: {  	[smem:$0x3FB2] =	sst s5  }
0xe: {  	[smem:$0x3FB3] =	sst s6  }
0xf: {  	[smem:$0x3FB4] =	sst s7  }
0x10: {  	[smem:$0x3FB5] =	sst s8  }
0x11: {  	[smem:$0x3FB6] =	sst s9;
	s0 =	simm.s32 @!p0 $0x0  }
0x12: {  	s1 =	sld [smem:$0x3F9C];
	s0 =	simm.s32 @p0 $0x1  }
0x13: {  	[smem:$0x3FB7] =	sst s0;
	s0 =	simm.s32 @!p1 $0x0  }
0x14: {  	s2 =	sld [smem:$0x3F9B];
	s0 =	simm.s32 @p1 $0x1  }
0x15: {  	[smem:$0x3FB8] =	sst s0;
	s0 =	simm.s32 @!p2 $0x0  }
0x16: {  	s3 =	sld [smem:$0x3FDB];
	s0 =	simm.s32 @p2 $0x1  }
0x17: {  	s4 =	simm.s32 $0x1BF5;
	[smem:$0x3FBA] =	sst s0  }
0x18: {  	s0 =	sld [smem:$0x3F9D];
	_ =	swait.ge [sflag:s4], $0x0  }
0x19: {  	s7 =	sld [smem:$0x3F9E]  }
0x1a: {  	s8 =	sadd.s32 $0xFFFFE003, lr  }
0x1b: {  	s9 =	sadd.s32 $0xFFFFFEF7, lr;
	s5 =	simm.s32 $0xFFFFFFFF;
	p2 =	slt.u32 s8, $0xFFFFF086  }
0x1c: {  	p1 =	slt.u32 s9, $0xF7A;
	s5 =	simm.s32 @!p2 $0x0  }
0x1d: {  	s5 =	simm.s32 @p1 $0x1;
	p0 =	seq.s32 s7, s2  }
0x1e: {  	s7 =	smul.u32 @!p0 $0xF7A, s2;
	p2 =	seq.s32 @!p0 s5, $0x0  }
0x1f: {  	s9 =	smul.u32 $0xF7A, s1;
	s8 =	simm.s32 @!p0 $0x1BF5;
	p2 =	por !p2, p0  }
0x20: {  	[sflag:s8] =	ssyncset.s32 @!p0 $0xFFFFF086;
	s6 =	sadd.s32 @!p0 s3, s7;
	s7 =	simm.s32 @!p0 $0x108  }
0x21: {  	s3 =	sadd.s32 s3, s9;
	s6 =	sadd.s32 @!p0 $0x88, s6;
	s7 =	simm.s32 @p2 $0x1082  }
0x22: {  	[simem:s7], [sflag:s8] =	dma.local @!p0 [hbm:s6], $0xF7A  }
0x23: {  	s9 =	sor.u32 $0xD0000000, s2;
	s6 =	simm.s32 $0x108;
	_ =	swait.ge @!p0 [sflag:s8], $0x0  }
0x24: {  	s3 =	sadd.s32 $0x88, s3;
	s6 =	simm.s32 @!p1 $0x1082;
	[sflag:s4] =	ssyncset.s32 $0xFFFFF086  }
0x25: {  	[simem:s6], [sflag:s4] =	dma.local [hbm:s3], $0xF7A  }
0x26: {  	[smem:$0x3F9E] =	sst s1;
	(tag) =	ssettag s2;
	_ =	strace s9  }
0x27: {  	s1 =	sld [smem:$0x3FAE]  }
0x28: {  	s2 =	sld [smem:$0x3FAF]  }
0x29: {  	s4 =	sld [smem:$0x3FB1]  }
0x2a: {  	p0 =	seq.s32 s5, $0x0;
	s5 =	sld [smem:$0x3FB2]  }
0x2b: {  	s6 =	sld [smem:$0x3FB3]  }
0x2c: {  	s7 =	sld [smem:$0x3FB4]  }
0x2d: {  	s3 =	simm.s32 $0x108;
	s8 =	sld [smem:$0x3FB5]  }
0x2e: {  	s3 =	simm.s32 @!p0 $0x1082;
	s9 =	sld [smem:$0x3FB6]  }
0x2f: {  	lr =	sadd.s32 s0, s3;
	s0 =	sld [smem:$0x3FAD]  }
0x30: {  	s3 =	sld [smem:$0x3FB0]  }
0x31: {  	[smem:$0x3FB9] =	sst s10  }
0x32: {  	s10 =	sld [smem:$0x3FB7];
	_ =	sdelay $0x3  }
0x33: {  	p0 =	seq.s32 s10, $0x1;
	s10 =	sld [smem:$0x3FB9];
	_ =	sdelay $0x3  }
0x34: {  	[smem:$0x3FB9] =	sst s10  }
0x35: {  	s10 =	sld [smem:$0x3FB8];
	_ =	sdelay $0x3  }
0x36: {  	p1 =	seq.s32 s10, $0x1;
	s10 =	sld [smem:$0x3FB9];
	_ =	sdelay $0x3  }
0x37: {  	[smem:$0x3FB9] =	sst s10  }
0x38: {  	s10 =	sld [smem:$0x3FBA]  }
0x39: {  	_ = 	snop;
	(pc) =	sbr.ind lr, $3  }
0x3a: {  	_ = 	snop  }
0x3b: {  	_ = 	snop  }
0x3c: {  	p2 =	seq.s32 s10, $0x1;
	s10 =	sld [smem:$0x3FB9]  }
0x3d: {  	_ =	shalt  }
0x3e: {  	_ =	shalt  }
0x3f: {  	_ =	shalt  }
0x40: {  	_ =	shalt  }
0x41: {  	_ =	shalt  }
0x42: {  	_ =	shalt  }
0x43: {  	_ =	shalt  }
0x44: {  	_ =	shalt  }
0x45: {  	_ =	shalt  }
0x46: {  	_ =	shalt  }
0x47: {  	_ =	shalt  }
0x48: {  	_ =	shalt  }
0x49: {  	_ =	shalt  }
0x4a: {  	_ =	shalt  }
0x4b: {  	_ =	shalt  }
0x4c: {  	_ =	shalt  }
0x4d: {  	_ =	shalt  }
0x4e: {  	_ =	shalt  }
0x4f: {  	_ =	shalt  }
0x50: {  	_ =	shalt  }
0x51: {  	_ =	shalt  }
0x52: {  	_ =	shalt  }
0x53: {  	_ =	shalt  }
0x54: {  	_ =	shalt  }
0x55: {  	_ =	shalt  }
0x56: {  	_ =	shalt  }
0x57: {  	_ =	shalt  }
0x58: {  	_ =	shalt  }
0x59: {  	_ =	shalt  }
0x5a: {  	_ =	shalt  }
0x5b: {  	_ =	shalt  }
0x5c: {  	_ =	shalt  }
0x5d: {  	_ =	shalt  }
0x5e: {  	_ =	shalt  }
0x5f: {  	_ =	shalt  }
0x60: {  	_ =	shalt  }
0x61: {  	_ =	shalt  }
0x62: {  	_ =	shalt  }
0x63: {  	_ =	shalt  }
0x64: {  	_ =	shalt  }
0x65: {  	_ =	shalt  }
0x66: {  	_ =	shalt  }
0x67: {  	_ =	shalt  }
0x68: {  	_ =	shalt  }
0x69: {  	_ =	shalt  }
0x6a: {  	_ =	shalt  }
0x6b: {  	_ =	shalt  }
0x6c: {  	_ =	shalt  }
0x6d: {  	_ =	shalt  }
0x6e: {  	_ =	shalt  }
0x6f: {  	_ =	shalt  }
0x70: {  	_ =	shalt  }
0x71: {  	_ =	shalt  }
0x72: {  	_ =	shalt  }
0x73: {  	_ =	shalt  }
0x74: {  	_ =	shalt  }
0x75: {  	_ =	shalt  }
0x76: {  	_ =	shalt  }
0x77: {  	_ =	shalt  }
0x78: {  	_ =	shalt  }
0x79: {  	_ =	shalt  }
0x7a: {  	_ =	shalt  }
0x7b: {  	_ =	shalt  }
0x7c: {  	_ =	shalt  }
0x7d: {  	_ =	shalt  }
0x7e: {  	_ =	shalt  }
0x7f: {  	_ =	shalt  }
0x80: {  	_ =	shalt  }
0x81: {  	_ =	shalt  }
0x82: {  	_ =	shalt  }
0x83: {  	_ =	shalt  }
0x84: {  	_ =	shalt  }
0x85: {  	_ =	shalt  }
0x86: {  	_ =	shalt  }
0x87: {  	_ =	shalt  }
.Lfunc_end0:
.L_simem_size_0:
called_computation_lowered:
.L_overlay_start_0:
0x88: {  	s2 =	sld [smem:$0x3FD9]  }
0x89: {  	s3 =	sld [smem:$0x3FFE];
	_ =	sdelay $0x1  }
0x8a: {  	s1 =	srdreg.scid  }
0x8b: {  	s0 =	sand.u32 $0x1, s1  }
0x8c: {  	s17 =	sshll.u32 s0, $0xA;
	s2 =	sadd.s32 s3, s2  }
0x8d: {  	s2 =	sadd.s32 s2, s17  }
0x8e: {  	[smem:$0x3FC5] =	sst s2  }
0x8f: {  	_ = 	snop  }
0x90: {  	s2 =	sld [smem:$0x3FC8]  }
0x91: {  	s18 =	sld [smem:$0x3FD0];
	(tm) =	ssettm $0x1  }
0x92: {  	s4 =	sld [smem:$0x3FFB];
	_ =	sdelay $0x3  }
0x93: {  	_ =	strace s4  }
0x94: {  	s4 =	sld [smem:$0x3FFC];
	_ =	sdelay $0x3  }
0x95: {  	_ =	strace s4  }
0x96: {  	s4 =	sld [smem:$0x3FFD];
	_ =	sdelay $0x3  }
0x97: {  	_ =	strace s4  }
0x98: {  	_ =	strace $0x8FFFFFFF  }
0x99: {  	s19 =	sld [smem:$0x3FDB];
	_ =	sdelay $0x1  }
0x9a: {  	s5 =	simm.s32 $_scs_section_size  }
0x9b: {  	s6 =	simm.s32 $_size__tile_overlayer_lowered;
	s7 =	simm.s32 $_tile_overlayer_lowered  }
0x9c: {  	s22 =	simm.s32 $0x1BFF;
	s21 =	sshll.u32 s7, $0x1;
	s4 =	sadd.s32 s5, s19  }
0x9d: {  	s8 =	simm.s32 $0x0;
	s20 =	sshll.u32 s6, $0x1;
	s6 =	sadd.s32 s21, s4  }
0x9e: {  	[timem:s8], [sflag:s22] =	dma.local [hbm:s6], s20  }
0x9f: {  	_ =	swait.ge [sflag:s22], s20  }
0xa0: {  	s5 =	ssub.s32 $0x0, s20;
	[sflag:s22] =	ssyncset.done $0x0  }
0xa1: {  	[sflag:s22] =	ssyncadd.s32 s5;
	_ =	sdelay $0x1  }
0xa2: {  	s23 =	simm.s32 $0x1B8B  }
0xa3: {  	_ =	swait.ge [sflag:s23], $0x1  }
0xa4: {  	[sflag:s23] =	ssyncset.done $0x0  }
0xa5: {  	s25 =	simm.s32 $0x1B8E;
	s24 =	sld [smem:$0x3FFE];
	[sflag:s23] =	ssyncadd.s32 $0xFFFFFFFF  }
0xa6: {  	s26 =	simm.s32 $execute0_lowered;
	[smem:$0x3FD2] =	sst s25  }
0xa7: {  	s6 =	sshll.u32 s26, $0x1;
	_ =	strace $0x80000046;
	[dreg:$0x1] =	wrdreg $0xFFFFFFFF  }
0xa8: {  	s28 =	simm.s32 $_size_execute0_lowered;
	s4 =	sadd.s32 s4, s6;
	[dreg:$0x0] =	wrdreg $0x0  }
0xa9: {  	s6 =	sshll.u32 s28, $0x1;
	[dreg:$0x2] =	wrdreg s4  }
0xaa: {  	[dreg:$0x3] =	wrdreg s6  }
0xab: {  	[dreg:$0x4] =	wrdreg $0xC0  }
0xac: {  	_ =	task [dreg:s8], $0x5FFFF  }
0xad: {  	[dreg:$0x1] =	wrdreg $0xFFFFFFFF  }
0xae: {  	[dreg:$0x0] =	wrdreg $0x60  }
0xaf: {  	[dreg:$0x2] =	wrdreg s24  }
0xb0: {  	[dreg:$0x3] =	wrdreg s2  }
0xb1: {  	[dreg:$0x4] =	wrdreg s18  }
0xb2: {  	[dreg:$0x5] =	wrdreg $0x9  }
0xb3: {  	_ =	task.clear_ibuf [dreg:s8], $0x6FFFF;
	_ =	strace $0x90000046  }
0xb4: {  	s29 =	simm.s32 $0x9;
	_ =	strace $0x80000048  }
0xb5: {  	_ =	swait.ge [sflag:s29], $0x1  }
0xb6: {  	[sflag:s29] =	ssyncadd.s32 $0xFFFFFFFF  }
0xb7: {  	_ =	strace $0x90000048  }
0xb8: {  	_ =	sfence  }
0xb9: {  	s30 =	sld [smem:$0x0];
	_ =	sdelay $0x2  }
0xba: {  	s31 =	sshll.u32 s1, $0xD;
	s1 =	sshrl.u32 s1, $0x2  }
0xbb: {  	s3 =	sand.u32 $0x4000, s31;
	s1 =	sadd.s32 s1, s30  }
0xbc: {  	s0 =	sor.u32 s3, s0;
	s1 =	sshll.u32 s1, $0x11  }
0xbd: {  	s0 =	sor.u32 s1, s0  }
0xbe: {  	s0 =	sadd.s32 $0x8F2B, s0  }
0xbf: {  	[sflag:s0] =	ssyncadd.remote.s32 $0x1  }
0xc0: {  	_ =	sfence.sel $0xFFFF  }
0xc1: {  	[dreg:$0x0] =	wrdreg $0xFFFFFFFF;
	(pc) =	sbr.abs _section_cstart, $3  }
0xc2: {  	[dreg:$0x1] =	wrdreg $0xFFFFFFFF  }
0xc3: {  	_ =	task.clear_ibuf [dreg:s8], $0x2FFFF;
	_ =	strace $0x9FFFFFFF  }
0xc4: {  	(tm) =	ssettm $0x7FFFFFFF  }
0xc5: {  	_ =	shalt  }
tec
execute0_lowered:
.L_overlay_start_1:
0x0: {  	(tag) =	ssettag $0x1  }
0x1: {  	s4 =	rddreg [dreg:$0x0]  }
0x2: {  	s2 =	rddreg [dreg:$0x1]  }
0x3: {  	s1 =	srdreg.scid;
	s0 =	stileid.u32  }
0x4: {  	s5 =	rddreg [dreg:$0x2];
	s3 =	simm.s32 $0x0;
	s9 =	simm.s32 $0x400  }
0x5: {  	s10 =	simm.s32 $0x480;
	s11 =	simm.s32 $0x100;
	s12 =	simm.s32 $0x500  }
0x6: {  	s13 =	simm.s32 $0x180;
	s14 =	simm.s32 $0x580;
	s15 =	simm.s32 $0x200  }
0x7: {  	s16 =	simm.s32 $0x600;
	s17 =	simm.s32 $0x1;
	s18 =	simm.s32 $0x800  }
0x8: {  	s6 =	sand.u32 $0x1, s1;
	s7 =	sshll.u32 s0, $0x1;
	s1 =	rddreg [dreg:$0x3]  }
0x9: {  	s19 =	simm.s32 $0x0;
	[smem:$0x7FF] =	sst s3;
	s7 =	sor.u32 s6, s7  }
0xa: {  	s6 =	ssub.s32 $0x2, s6;
	_ =	strace $0x80000047;
	s8 =	sshll.u32 s7, $0x7  }
0xb: {  	s31 =	sshrl.u32 s6, $0x1;
	s7 =	sshll.u32 s7, $0x2;
	s4 =	sadd.s32 s8, s4  }
0xc: {  	s6 =	ssub.s32 s6, s31;
	s5 =	sadd.s32 s5, s7;
	s7 =	simm.s32 $0x2  }
0xd: {  	s8 =	simm.s32 $0x80;
	s4 =	sadd.s32 $0x400, s4;
	s6 =	smax.u32 s6, $0x1  }
.LBB2_1:
0xe: {  	[tilespmem:s3], [sflag:$0x2] =	stream.linear.gather [hbm4b:s4+s3], $0x280, $0x38;
	[tilespmem:$0x880] =	vst v63  }
0xf: {  	_ =	swait.ge [sflag:s7], $0x280  }
0x10: {  	[sflag:s7] =	ssyncset.done $0x0  }
0x11: {  	[sflag:s7] =	ssyncadd.s32 $0xFFFFFD80  }
0x12: {  	[tilespmem:s9], [sflag:$0x1] =	stream.indirect.gather [hbm4b:s2+s8], $0x1, s3, s8, $0xb8;
	[tilespmem:$0x880] =	vst v63  }
0x13: {  	_ = 	snop  }
0x14: {  	[tilespmem:s10], [sflag:$0x1] =	stream.indirect.gather [hbm4b:s2+s8], $0x1, s8, s8, $0xb8;
	[tilespmem:$0x880] =	vst v63  }
0x15: {  	_ = 	snop  }
0x16: {  	[tilespmem:s12], [sflag:$0x1] =	stream.indirect.gather [hbm4b:s2+s8], $0x1, s11, s8, $0xb8;
	[tilespmem:$0x880] =	vst v63  }
0x17: {  	_ = 	snop  }
0x18: {  	[tilespmem:s14], [sflag:$0x1] =	stream.indirect.gather [hbm4b:s2+s8], $0x1, s13, s8, $0xb8;
	[tilespmem:$0x880] =	vst v63  }
0x19: {  	_ = 	snop  }
0x1a: {  	[tilespmem:s16], [sflag:$0x1] =	stream.indirect.gather [hbm4b:s2+s8], $0x1, s15, s8, $0xb8;
	[tilespmem:$0x880] =	vst v63  }
0x1b: {  	_ =	swait.ge [sflag:s17], $0x80  }
0x1c: {  	[sflag:s17] =	ssyncset.done $0x0  }
0x1d: {  	[sflag:s17] =	ssyncadd.s32 $0xFFFFFF80  }
0x1e: {  	_ =	swait.ge [sflag:s17], $0x80  }
0x1f: {  	[sflag:s17] =	ssyncset.done $0x0  }
0x20: {  	[sflag:s17] =	ssyncadd.s32 $0xFFFFFF80  }
0x21: {  	_ =	swait.ge [sflag:s17], $0x80  }
0x22: {  	[sflag:s17] =	ssyncset.done $0x0  }
0x23: {  	[sflag:s17] =	ssyncadd.s32 $0xFFFFFF80  }
0x24: {  	_ =	swait.ge [sflag:s17], $0x80  }
0x25: {  	[sflag:s17] =	ssyncset.done $0x0  }
0x26: {  	[sflag:s17] =	ssyncadd.s32 $0xFFFFFF80  }
0x27: {  	_ =	swait.ge [sflag:s17], $0x80  }
0x28: {  	[sflag:s17] =	ssyncset.done $0x0  }
0x29: {  	p0 =	por $0x1, $0x1;
	s20 =	simm.s32 $0x0;
	[sflag:s17] =	ssyncadd.s32 $0xFFFFFF80  }
.LBB2_2:
0x2a: {  	v0 =	vld [tilespmem:s20+$0x0]  }
0x2b: {  	s21 =	sor.u32 $0x20, s20;
	v5 =	vld [tilespmem:s20+$0x400]  }
0x2c: {  	s22 =	sor.u32 $0x40, s20;
	v2 =	vld [tilespmem:s21+$0x0]  }
0x2d: {  	s23 =	sor.u32 $0x60, s20;
	v1 =	vld [tilespmem:s22+$0x0]  }
0x2e: {  	s24 =	sor.u32 $0x80, s20;
	v3 =	vld [tilespmem:s23+$0x0]  }
0x2f: {  	s25 =	sor.u32 $0xA0, s20;
	v4 =	vld [tilespmem:s24+$0x0]  }
0x30: {  	v44 =	vld [tilespmem:s25+$0x0]  }
0x31: {  	v6 =	vld [tilespmem:s20+$0x420]  }
0x32: {  	s26 =	sor.u32 $0xC0, s20;
	v5 =	vadd.f32 $0.0e+00, v5;
	vm0 =	veq.s32 v0, v2;
	vm6 =	veq.s32 v0, v1  }
0x33: {  	v45 =	vld [tilespmem:s26+$0x0];
	vm1 =	veq.s32 v2, v1;
	vm7 =	veq.s32 v0, v3;
	vm8 =	veq.s32 v2, v3  }
0x34: {  	v7 =	vld [tilespmem:s20+$0x440];
	s28 =	sor.u32 $0xE0, s20;
	vm9 =	veq.s32 v1, v3;
	vm10 =	veq.s32 v0, v4;
	vm2 =	veq.s32 v2, v4  }
0x35: {  	v46 =	vld [tilespmem:s28+$0x0];
	vm12 =	veq.s32 v1, v4;
	vm13 =	veq.s32 v3, v4;
	vm14 =	veq.s32 v0, v44  }
0x36: {  	vm3 =	veq.s32 v2, v44;
	vm4 =	veq.s32 v1, v44;
	v6 =	vsel vm0, $0x0, v6  }
0x37: {  	v8 =	vld [tilespmem:s20+$0x460];
	vm0 =	vmor vm6, vm1;
	vm11 =	vmor vm10, vm2;
	vm15 =	vmor vm14, vm3  }
0x38: {  	vm6 =	veq.s32 v3, v44;
	vm14 =	veq.s32 v4, v45;
	v6 =	vadd.f32 v6, v5  }
0x39: {  	v7 =	vsel vm0, $0x0, v7;
	vm0 =	vmor vm7, vm8;
	vm5 =	vmor vm4, vm15  }
0x3a: {  	v9 =	vld [tilespmem:s20+$0x480];
	s31 =	sor.u32 $0x140, s20;
	vm7 =	veq.s32 v4, v44;
	vm8 =	veq.s32 v0, v45;
	vm15 =	veq.s32 v0, v46  }
0x3b: {  	v51 =	vld [tilespmem:s31+$0x0];
	vm0 =	vmor vm9, vm0;
	vm9 =	veq.s32 v2, v45;
	v7 =	vadd.f32 v7, v6  }
0x3c: {  	v10 =	vld [tilespmem:s20+$0x4A0];
	s29 =	sor.u32 $0x100, s20;
	v8 =	vsel vm0, $0x0, v8;
	vm0 =	vmor vm12, vm11;
	vm10 =	vmor vm8, vm9  }
0x3d: {  	v49 =	vld [tilespmem:s29+$0x0];
	vm11 =	veq.s32 v1, v45;
	vm8 =	veq.s32 v1, v46;
	vm9 =	veq.s32 v3, v46  }
0x3e: {  	vm0 =	vmor vm13, vm0;
	vm12 =	vmor vm11, vm10;
	vm13 =	veq.s32 v3, v45  }
0x3f: {  	vm11 =	veq.s32 v4, v46;
	v8 =	vadd.f32 v8, v7;
	v9 =	vsel vm0, $0x0, v9  }
0x40: {  	vm0 =	vmor vm6, vm5;
	vm6 =	veq.s32 v2, v46;
	vm5 =	veq.s32 v1, v51  }
0x41: {  	s30 =	sor.u32 $0x120, s20;
	vm0 =	vmor vm7, vm0;
	vm7 =	veq.s32 v44, v45;
	vm1 =	vmor vm15, vm6  }
0x42: {  	v50 =	vld [tilespmem:s30+$0x0];
	vm6 =	veq.s32 v1, v49;
	v8 =	vadd.f32 v9, v8;
	v47 =	vsel vm0, $0x0, v10  }
0x43: {  	v48 =	vld [tilespmem:s20+$0x4C0];
	vm0 =	vmor vm13, vm12;
	vm1 =	vmor vm8, vm1;
	vm12 =	veq.s32 v44, v46  }
0x44: {  	vm13 =	veq.s32 v0, v49;
	vm8 =	veq.s32 v3, v49;
	vm0 =	vmor vm14, vm0  }
0x45: {  	vm10 =	vmor vm9, vm1;
	vm14 =	veq.s32 v2, v49;
	vm9 =	veq.s32 v4, v49  }
0x46: {  	v9 =	vadd.f32 v47, v8;
	vm0 =	vmor vm7, vm0;
	vm15 =	vmor vm13, vm14  }
0x47: {  	vm7 =	veq.s32 v45, v46;
	vm13 =	veq.s32 v0, v50;
	vm14 =	veq.s32 v2, v50  }
0x48: {  	v10 =	vsel vm0, $0x0, v48;
	vm0 =	vmor vm11, vm10;
	vm1 =	vmor vm6, vm15  }
0x49: {  	v11 =	vld [tilespmem:s20+$0x4E0];
	vm11 =	veq.s32 v44, v49;
	vm15 =	vmor vm13, vm14;
	vm6 =	veq.s32 v1, v50  }
0x4a: {  	vm13 =	veq.s32 v0, v51;
	vm14 =	veq.s32 v2, v51;
	v10 =	vadd.f32 v10, v9  }
0x4b: {  	vm0 =	vmor vm12, vm0;
	vm1 =	vmor vm8, vm1;
	vm12 =	veq.s32 v45, v49  }
0x4c: {  	s22 =	sor.u32 $0x160, s20;
	vm8 =	veq.s32 v3, v50;
	vm0 =	vmor vm7, vm0;
	vm10 =	vmor vm9, vm1  }
0x4d: {  	v52 =	vld [tilespmem:s22+$0x0];
	vm7 =	veq.s32 v46, v49;
	vm1 =	vmor vm6, vm15;
	vm9 =	veq.s32 v4, v50  }
0x4e: {  	v12 =	vld [tilespmem:s20+$0x500];
	s23 =	sor.u32 $0x180, s20;
	vm15 =	veq.s32 v46, v50;
	vm6 =	veq.s32 v3, v51;
	v11 =	vsel vm0, $0x0, v11  }
0x4f: {  	v53 =	vld [tilespmem:s23+$0x0];
	vm0 =	vmor vm11, vm10;
	vm1 =	vmor vm8, vm1;
	vm11 =	veq.s32 v44, v50  }
0x50: {  	vm8 =	veq.s32 v4, v51;
	v11 =	vadd.f32 v11, v10;
	vm0 =	vmor vm12, vm0  }
0x51: {  	vm10 =	vmor vm9, vm1;
	vm12 =	veq.s32 v45, v50;
	vm1 =	vmor vm13, vm14  }
0x52: {  	vm9 =	veq.s32 v44, v51;
	vm13 =	veq.s32 v0, v52;
	vm14 =	veq.s32 v2, v52  }
0x53: {  	vm0 =	vmor vm7, vm0;
	vm1 =	vmor vm5, vm1;
	vm7 =	veq.s32 v49, v50  }
0x54: {  	vm5 =	veq.s32 v46, v53;
	v12 =	vsel vm0, $0x0, v12;
	vm0 =	vmor vm11, vm10  }
0x55: {  	vm1 =	vmor vm6, vm1;
	vm11 =	veq.s32 v45, v51;
	vm6 =	veq.s32 v1, v52  }
0x56: {  	v13 =	vld [tilespmem:s20+$0x520];
	v12 =	vadd.f32 v12, v11;
	vm0 =	vmor vm12, vm0;
	vm1 =	vmor vm8, vm1  }
0x57: {  	vm12 =	veq.s32 v46, v51;
	vm8 =	veq.s32 v3, v52;
	vm0 =	vmor vm15, vm0  }
0x58: {  	vm10 =	vmor vm9, vm1;
	vm15 =	vmor vm13, vm14;
	vm9 =	veq.s32 v4, v52  }
0x59: {  	vm14 =	veq.s32 v46, v52;
	vm0 =	vmor vm7, vm0;
	vm7 =	veq.s32 v49, v51  }
0x5a: {  	vm1 =	vmor vm6, vm15;
	vm15 =	veq.s32 v49, v52;
	vm6 =	veq.s32 v0, v53  }
0x5b: {  	s24 =	sor.u32 $0x1A0, s20;
	v13 =	vsel vm0, $0x0, v13;
	vm0 =	vmor vm11, vm10;
	vm1 =	vmor vm8, vm1  }
0x5c: {  	v54 =	vld [tilespmem:s24+$0x0];
	vm10 =	veq.s32 v50, v51;
	vm11 =	veq.s32 v44, v52;
	v13 =	vadd.f32 v13, v12  }
0x5d: {  	v14 =	vld [tilespmem:s20+$0x540];
	vm0 =	vmor vm12, vm0;
	vm1 =	vmor vm9, vm1;
	vm12 =	veq.s32 v45, v52  }
0x5e: {  	vm9 =	veq.s32 v1, v53;
	vm0 =	vmor vm7, vm0;
	vm1 =	vmor vm11, vm1  }
0x5f: {  	vm7 =	veq.s32 v2, v53;
	vm11 =	veq.s32 v3, v53;
	vm0 =	vmor vm10, vm0  }
0x60: {  	vm13 =	vmor vm12, vm1;
	vm8 =	vmor vm6, vm7;
	vm10 =	veq.s32 v50, v52  }
0x61: {  	vm12 =	veq.s32 v4, v53;
	vm6 =	veq.s32 v49, v53;
	vm7 =	veq.s32 v0, v54  }
0x62: {  	v14 =	vsel vm0, $0x0, v14;
	vm0 =	vmor vm14, vm13;
	vm1 =	vmor vm9, vm8  }
0x63: {  	v15 =	vld [tilespmem:s20+$0x560];
	vm13 =	veq.s32 v51, v52;
	vm14 =	veq.s32 v44, v53;
	vm8 =	veq.s32 v2, v54  }
0x64: {  	vm9 =	veq.s32 v50, v53;
	v14 =	vadd.f32 v14, v13;
	vm0 =	vmor vm15, vm0  }
0x65: {  	s25 =	sor.u32 $0x1C0, s20;
	vm1 =	vmor vm11, vm1;
	vm15 =	veq.s32 v45, v53;
	vm11 =	veq.s32 v3, v54  }
0x66: {  	s26 =	sor.u32 $0x1E0, s20;
	v55 =	vld [tilespmem:s25+$0x0];
	vm0 =	vmor vm10, vm0;
	vm1 =	vmor vm12, vm1;
	vm10 =	veq.s32 v1, v54  }
0x67: {  	v56 =	vld [tilespmem:s26+$0x0];
	vm12 =	veq.s32 v51, v53;
	vm0 =	vmor vm13, vm0;
	vm1 =	vmor vm14, vm1  }
0x68: {  	vm13 =	veq.s32 v4, v54;
	vm14 =	veq.s32 v44, v54;
	v15 =	vsel vm0, $0x0, v15  }
0x69: {  	vm4 =	vmor vm15, vm1;
	vm1 =	vmor vm7, vm8;
	vm15 =	veq.s32 v52, v53  }
0x6a: {  	vm8 =	veq.s32 v49, v54;
	v15 =	vadd.f32 v15, v14;
	vm0 =	vmor vm5, vm4  }
0x6b: {  	vm1 =	vmor vm10, vm1;
	vm5 =	veq.s32 v45, v54;
	vm10 =	veq.s32 v0, v55  }
0x6c: {  	v16 =	vld [tilespmem:s20+$0x580];
	vm4 =	veq.s32 v49, v56;
	vm0 =	vmor vm6, vm0;
	vm1 =	vmor vm11, vm1  }
0x6d: {  	vm6 =	veq.s32 v46, v54;
	vm11 =	veq.s32 v2, v55;
	vm0 =	vmor vm9, vm0  }
0x6e: {  	vm1 =	vmor vm13, vm1;
	vm9 =	veq.s32 v50, v54;
	vm13 =	veq.s32 v1, v55  }
0x6f: {  	vm0 =	vmor vm12, vm0;
	vm1 =	vmor vm14, vm1;
	vm12 =	veq.s32 v51, v54  }
0x70: {  	vm14 =	veq.s32 v3, v55;
	vm0 =	vmor vm15, vm0;
	vm1 =	vmor vm5, vm1  }
0x71: {  	vm15 =	veq.s32 v52, v54;
	vm5 =	veq.s32 v50, v56;
	v16 =	vsel vm0, $0x0, v16  }
0x72: {  	vm7 =	vmor vm6, vm1;
	vm1 =	vmor vm10, vm11;
	vm6 =	veq.s32 v4, v55  }
0x73: {  	vm10 =	veq.s32 v46, v55;
	v16 =	vadd.f32 v16, v15;
	vm0 =	vmor vm8, vm7  }
0x74: {  	vm1 =	vmor vm13, vm1;
	vm7 =	veq.s32 v44, v55;
	vm8 =	veq.s32 v53, v54  }
0x75: {  	v17 =	vld [tilespmem:s20+$0x5A0];
	vm13 =	veq.s32 v50, v55;
	vm0 =	vmor vm9, vm0;
	vm1 =	vmor vm14, vm1  }
0x76: {  	vm9 =	veq.s32 v45, v55;
	vm14 =	veq.s32 v0, v56;
	vm0 =	vmor vm12, vm0  }
0x77: {  	vm1 =	vmor vm6, vm1;
	vm12 =	veq.s32 v49, v55;
	vm6 =	veq.s32 v51, v55  }
0x78: {  	vm0 =	vmor vm15, vm0;
	vm1 =	vmor vm7, vm1;
	vm15 =	veq.s32 v2, v56  }
0x79: {  	vm7 =	veq.s32 v1, v56;
	vm0 =	vmor vm8, vm0;
	vm1 =	vmor vm9, vm1  }
0x7a: {  	s28 =	sor.u32 $0x200, s20;
	vm8 =	veq.s32 v3, v56;
	vm9 =	veq.s32 v52, v55;
	v17 =	vsel vm0, $0x0, v17  }
0x7b: {  	v57 =	vld [tilespmem:s28+$0x0];
	vm11 =	vmor vm10, vm1;
	vm1 =	vmor vm14, vm15;
	vm10 =	veq.s32 v4, v56  }
0x7c: {  	vm14 =	veq.s32 v46, v56;
	vm15 =	veq.s32 v54, v55;
	v17 =	vadd.f32 v17, v16  }
0x7d: {  	vm0 =	vmor vm12, vm11;
	vm1 =	vmor vm7, vm1;
	vm11 =	veq.s32 v44, v56  }
0x7e: {  	vm12 =	veq.s32 v53, v55;
	vm7 =	veq.s32 v51, v56;
	vm0 =	vmor vm13, vm0  }
0x7f: {  	vm1 =	vmor vm8, vm1;
	vm13 =	veq.s32 v45, v56;
	vm8 =	veq.s32 v52, v56  }
0x80: {  	v18 =	vld [tilespmem:s20+$0x5C0];
	vm0 =	vmor vm6, vm0;
	vm1 =	vmor vm10, vm1;
	vm10 =	veq.s32 v2, v57  }
0x81: {  	s30 =	sor.u32 $0x240, s20;
	vm0 =	vmor vm9, vm0;
	vm1 =	vmor vm11, vm1;
	vm9 =	veq.s32 v0, v57  }
0x82: {  	v20 =	vld [tilespmem:s30+$0x0];
	vm0 =	vmor vm12, vm0;
	vm1 =	vmor vm13, vm1;
	vm11 =	vmor vm9, vm10  }
0x83: {  	vm12 =	veq.s32 v1, v57;
	vm13 =	veq.s32 v53, v56;
	vm9 =	veq.s32 v55, v56  }
0x84: {  	s29 =	sor.u32 $0x220, s20;
	vm10 =	veq.s32 v46, v57;
	vm1 =	vmor vm14, vm1;
	vm0 =	vmor vm15, vm0  }
0x85: {  	v58 =	vld [tilespmem:s29+$0x0];
	vm14 =	veq.s32 v3, v57;
	vm1 =	vmor vm4, vm1;
	v18 =	vsel vm0, $0x0, v18  }
0x86: {  	vm15 =	veq.s32 v4, v57;
	vm6 =	vmor vm5, vm1;
	v18 =	vadd.f32 v18, v17  }
0x87: {  	vm1 =	vmor vm12, vm11;
	vm11 =	veq.s32 v49, v57;
	vm5 =	veq.s32 v49, v20  }
0x88: {  	vm0 =	vmor vm7, vm6;
	vm1 =	vmor vm14, vm1;
	vm6 =	veq.s32 v54, v56  }
0x89: {  	vm7 =	veq.s32 v44, v57;
	vm14 =	veq.s32 v51, v57;
	vm0 =	vmor vm8, vm0  }
0x8a: {  	v19 =	vld [tilespmem:s20+$0x5E0];
	vm1 =	vmor vm15, vm1;
	vm8 =	veq.s32 v45, v57;
	vm15 =	veq.s32 v0, v58  }
0x8b: {  	vm0 =	vmor vm13, vm0;
	vm1 =	vmor vm7, vm1;
	vm13 =	veq.s32 v50, v57  }
0x8c: {  	vm7 =	veq.s32 v52, v57;
	vm0 =	vmor vm6, vm0;
	vm1 =	vmor vm8, vm1  }
0x8d: {  	vm6 =	veq.s32 v2, v58;
	vm8 =	veq.s32 v1, v58;
	vm0 =	vmor vm9, vm0  }
0x8e: {  	vm1 =	vmor vm10, vm1;
	vm9 =	veq.s32 v3, v58;
	vm10 =	veq.s32 v53, v57  }
0x8f: {  	v19 =	vsel vm0, $0x0, v19;
	vm12 =	vmor vm11, vm1;
	vm1 =	vmor vm15, vm6  }
0x90: {  	vm11 =	veq.s32 v4, v58;
	vm15 =	veq.s32 v46, v58;
	vm6 =	veq.s32 v55, v57  }
0x91: {  	v18 =	vadd.f32 v19, v18;
	vm0 =	vmor vm13, vm12;
	vm1 =	vmor vm8, vm1  }
0x92: {  	vm12 =	veq.s32 v44, v58;
	vm13 =	veq.s32 v54, v57;
	vm8 =	veq.s32 v50, v58  }
0x93: {  	vm0 =	vmor vm14, vm0;
	vm1 =	vmor vm9, vm1;
	vm14 =	veq.s32 v45, v58  }
0x94: {  	vm9 =	veq.s32 v56, v57;
	vm0 =	vmor vm7, vm0;
	vm1 =	vmor vm11, vm1  }
0x95: {  	vm7 =	veq.s32 v49, v58;
	vm11 =	veq.s32 v52, v58;
	vm0 =	vmor vm10, vm0  }
0x96: {  	v59 =	vld [tilespmem:s20+$0x600];
	vm1 =	vmor vm12, vm1;
	vm10 =	veq.s32 v51, v58;
	vm0 =	vmor vm13, vm0  }
0x97: {  	vm1 =	vmor vm14, vm1;
	vm13 =	veq.s32 v53, v58;
	vm14 =	veq.s32 v0, v20  }
0x98: {  	vm1 =	vmor vm15, vm1;
	vm0 =	vmor vm6, vm0;
	vm15 =	veq.s32 v2, v20  }
0x99: {  	vm6 =	veq.s32 v54, v58;
	vm1 =	vmor vm7, vm1;
	vm0 =	vmor vm9, vm0  }
0x9a: {  	vm7 =	veq.s32 v1, v20;
	vm9 =	veq.s32 v55, v58;
	vm1 =	vmor vm8, vm1  }
0x9b: {  	s31 =	sor.u32 $0x260, s20;
	v19 =	vsel vm0, $0x0, v59;
	vm8 =	veq.s32 v3, v20;
	vm1 =	vmor vm10, vm1  }
0x9c: {  	v22 =	vld [tilespmem:s31+$0x0];
	vm10 =	veq.s32 v4, v20;
	v18 =	vadd.f32 v19, v18;
	vm12 =	vmor vm11, vm1  }
0x9d: {  	vm1 =	vmor vm14, vm15;
	vm11 =	veq.s32 v44, v20;
	vm14 =	veq.s32 v46, v20  }
0x9e: {  	vm15 =	veq.s32 v57, v58;
	vm0 =	vmor vm13, vm12;
	vm1 =	vmor vm7, vm1  }
0x9f: {  	vm12 =	veq.s32 v56, v58;
	vm13 =	veq.s32 v45, v20;
	vm0 =	vmor vm6, vm0  }
0xa0: {  	vm1 =	vmor vm8, vm1;
	vm6 =	veq.s32 v50, v20;
	vm8 =	veq.s32 v51, v20  }
0xa1: {  	vm0 =	vmor vm9, vm0;
	vm1 =	vmor vm10, vm1;
	vm9 =	veq.s32 v0, v22  }
0xa2: {  	v21 =	vld [tilespmem:s20+$0x620];
	vm10 =	veq.s32 v2, v22;
	vm1 =	vmor vm11, vm1;
	vm0 =	vmor vm12, vm0  }
0xa3: {  	vm11 =	vmor vm9, vm10;
	vm12 =	veq.s32 v1, v22;
	vm1 =	vmor vm13, vm1  }
0xa4: {  	vm9 =	veq.s32 v54, v20;
	vm10 =	veq.s32 v46, v22;
	vm1 =	vmor vm14, vm1  }
0xa5: {  	vm0 =	vmor vm15, vm0;
	vm13 =	veq.s32 v52, v20;
	vm1 =	vmor vm5, vm1  }
0xa6: {  	vm14 =	veq.s32 v3, v22;
	vm7 =	vmor vm6, vm1;
	vm1 =	vmor vm12, vm11  }
0xa7: {  	vm15 =	veq.s32 v4, v22;
	v60 =	vsel vm0, $0x0, v21;
	vm1 =	vmor vm14, vm1  }
0xa8: {  	vm0 =	vmor vm8, vm7;
	vm7 =	veq.s32 v44, v22;
	vm1 =	vmor vm15, vm1  }
0xa9: {  	vm5 =	veq.s32 v52, v22;
	vm8 =	veq.s32 v45, v22;
	vm1 =	vmor vm7, vm1  }
0xaa: {  	v63 =	vadd.f32 v60, v18;
	vm6 =	veq.s32 v53, v20;
	vm1 =	vmor vm8, vm1  }
0xab: {  	vm11 =	veq.s32 v49, v22;
	vm12 =	veq.s32 v55, v20;
	vm1 =	vmor vm10, vm1  }
0xac: {  	vm0 =	vmor vm13, vm0;
	vm13 =	veq.s32 v50, v22;
	vm1 =	vmor vm11, vm1  }
0xad: {  	vm14 =	veq.s32 v51, v22;
	vm15 =	veq.s32 v56, v20;
	vm1 =	vmor vm13, vm1  }
0xae: {  	vm0 =	vmor vm6, vm0;
	vm6 =	veq.s32 v53, v22;
	vm1 =	vmor vm14, vm1  }
0xaf: {  	vm7 =	veq.s32 v57, v20;
	vm0 =	vmor vm9, vm0;
	vm1 =	vmor vm5, vm1  }
0xb0: {  	v61 =	vld [tilespmem:s20+$0x640];
	vm8 =	veq.s32 v54, v22;
	vm9 =	veq.s32 v55, v22;
	vm1 =	vmor vm6, vm1  }
0xb1: {  	vm0 =	vmor vm12, vm0;
	vm10 =	veq.s32 v58, v20;
	vm1 =	vmor vm8, vm1  }
0xb2: {  	v62 =	vld [tilespmem:s20+$0x660];
	vm0 =	vmor vm15, vm0;
	vm11 =	veq.s32 v56, v22;
	vm1 =	vmor vm9, vm1  }
0xb3: {  	vm12 =	veq.s32 v57, v22;
	vm0 =	vmor vm7, vm0;
	vm1 =	vmor vm11, vm1  }
0xb4: {  	vm13 =	veq.s32 v58, v22;
	vm0 =	vmor vm10, vm0;
	vm1 =	vmor vm12, vm1  }
0xb5: {  	p1 =	por p0, p0;
	vm15 =	veq.s32 v20, v22;
	v0 =	vsel vm0, $0x0, v61;
	vm14 =	vmor vm13, vm1  }
.Ltmp0:
0xb6: {  	v0 =	vadd.f32 v0, v63;
	vm0 =	vmor vm15, vm14;
	(pc) =	sbr.rel @p1 .LBB2_2-.Ltmp0, $3  }
0xb7: {  	v1 =	vsel vm0, $0x0, v62  }
0xb8: {  	v0 =	vadd.f32 v1, v0;
	_ =	sdelay $0x1  }
0xb9: {  	p0 =	por $0x0, $0x0;
	[tilespmem:s20+$0x800] =	vst v0;
	s20 =	simm.s32 $0x10  }
0xba: {  	s19 =	sadd.s32 $0x1, s19  }
0xbb: {  	p0 =	sne.s32 s19, s6  }
.Ltmp1:
0xbc: {  	_ = 	snop;
	(pc) =	sbr.rel @p0 .LBB2_1-.Ltmp1, $4  }
0xbd: {  	[hbm4b:s5+s3] =	stream.linear.scatter [tilespmem:s18], [sflag:$0x2], $0x20, $0x38;
	[tilespmem:$0x880] =	vst v63  }
0xbe: {  	_ =	swait.ge [sflag:s7], $0x20  }
0xbf: {  	[sflag:s7] =	ssyncset.done $0x0  }
0xc0: {  	[sflag:s7] =	ssyncadd.s32 $0xFFFFFFE0  }
0xc1: {  	_ =	sfence.sel $0x180000  }
0xc2: {  	[bflag:$0x0] =	sbarrier.arrive $0xFFFF  }
0xc3: {  	p0 =	sne.s32 s0, $0x0;
	_ =	strace $0x90000047  }
0xc4: {  	s0 =	sadd.s32 @!p0 $0x100000, s1;
	[bflag:$0x2] =	sbarrier.arrive $0xFFFF  }
0xc5: {  	[sflag:s0] =	ssyncadd.tile.s32 @!p0 $0x1;
	_ =	shalt  }
.Lfunc_end2:
_tile_overlayer_lowered:
.L_overlay_start_2:
0xc6: {  	(tag) =	ssettag $0x2  }
0xc7: {  	s0 =	rddreg [dreg:$0x0];
	s2 =	stileid.u32  }
0xc8: {  	s1 =	rddreg [dreg:$0x1];
	p0 =	sne.s32 s2, $0x0  }
0xc9: {  	s3 =	rddreg [dreg:$0x2];
	[bflag:$0x3] =	sbarrier.arrive $0xFFFF;
	s2 =	simm.s32 @!p0 $0x1C02  }
0xca: {  	[timem:s3], [sflag:s2] =	dma.local @!p0 [hbm:s0], s1  }
0xcb: {  	s0 =	simm.s32 @!p0 $0x2  }
0xcc: {  	_ =	swait.ge @!p0 [sflag:s0], s1  }
0xcd: {  	s1 =	ssub.s32 @!p0 $0x0, s1;
	[sflag:s0] =	ssyncset.done @!p0 $0x0  }
0xce: {  	[sflag:s0] =	ssyncadd.s32 @!p0 s1  }
0xcf: {  	[bflag:$0x3] =	sbarrier.arrive $0xFFFF  }
0xd0: {  	_ =	shalt  }

</sc_bundles>
